<compile_context>
chip_gen: v7x
topology: tpu7x:2x2x1
jax: 0.10.2.dev20260603
libtpu: 0.0.44.dev20260713+nightly
codegen_flags: <defaults>
</compile_context>

<pallas_src>
import functools

import jax
import jax.numpy as jnp
from jax import lax
from jax.experimental import pallas as pl
from jax.experimental.pallas import tpu as pltpu
from jax.experimental.pallas import tpu_sc as plsc

B = 4
N = 50000
D = 256
K = 128
TN = 2048
NB = 25
NPAD = NB * TN
NEG = -1e30
BIGI = 2**30
HIGHEST = lax.Precision.HIGHEST


def _scorer_body(ht_ref, wt_ref, b_ref, scorer_ref, inv_ref):
    pre = jnp.dot(ht_ref[...].astype(jnp.bfloat16),
                  wt_ref[...].astype(jnp.bfloat16),
                  preferred_element_type=jnp.float32)
    s = jnp.tanh(pre + b_ref[...])
    scorer_ref[...] = s
    ss = jnp.sum(s * s, axis=1, keepdims=True)
    inv_ref[...] = jnp.broadcast_to(lax.rsqrt(ss), (B, 128))


def _scorer(ht, w_map_t, b_map_row):
    return pl.pallas_call(
        _scorer_body,
        out_shape=[
            jax.ShapeDtypeStruct((B, D), jnp.float32),
            jax.ShapeDtypeStruct((B, 128), jnp.float32),
        ],
    )(ht, w_map_t, b_map_row)


def _score_body(z_ref, s_ref, inv_ref, raw_ref):
    zb = z_ref[0]
    sv = s_ref[0]
    r = lax.dot_general(sv.astype(jnp.bfloat16), zb.astype(jnp.bfloat16),
                        (((1,), (1,)), ((), ())),
                        preferred_element_type=jnp.float32)
    raw_ref[...] = jnp.reshape(r * inv_ref[0, 0, 0], (1, 1, 1, TN))


def _score(prev_z, scorer, inv):
    return pl.pallas_call(
        _score_body,
        grid=(B, NB),
        in_specs=[
            pl.BlockSpec((1, TN, D), lambda b, i: (b, i, 0)),
            pl.BlockSpec((1, 1, D), lambda b, i: (b, 0, 0)),
            pl.BlockSpec((1, 1, 128), lambda b, i: (b, 0, 0)),
        ],
        out_specs=pl.BlockSpec((1, 1, 1, TN), lambda b, i: (b, i, 0, 0)),
        out_shape=jax.ShapeDtypeStruct((B, NB, 1, TN), jnp.float32),
        compiler_params=pltpu.CompilerParams(
            dimension_semantics=("parallel", "arbitrary")),
    )(prev_z, scorer.reshape(B, 1, D), inv.reshape(B, 1, 128))


def _topk_body(raw_ref, ids_ref, fidx_ref, tanh_ref, ent_ref, pol_ref,
               sa0, sa1, sa2, sa3):
    sa = (sa0, sa1, sa2, sa3)
    a3 = raw_ref[:, :, 0, :]
    row_i = lax.broadcasted_iota(jnp.int32, (B, NB, TN), 1)
    lane_i = lax.broadcasted_iota(jnp.int32, (B, NB, TN), 2)
    lin3 = row_i * TN + lane_i
    a3 = jnp.where(lin3 < N, a3, NEG)

    m04 = jnp.max(a3, axis=(1, 2), keepdims=True)
    ex = jnp.exp(a3 - m04)
    ssum = jnp.sum(ex, axis=(1, 2), keepdims=True)
    logs = jnp.log(ssum)
    ent4 = -jnp.sum(ex * (a3 - m04 - logs), axis=(1, 2),
                    keepdims=True) / ssum
    ent_ref[...] = jnp.broadcast_to(ent4[:, :, 0], (B, 128))

    for b in range(B):
        sa[b][...] = a3[b]
    lane1 = lax.broadcasted_iota(jnp.int32, (1, TN), 1)
    lanek = lax.broadcasted_iota(jnp.int32, (1, 128), 1)
    iota_b = lax.broadcasted_iota(jnp.int32, (B, 1), 0)
    iota_r2 = lax.broadcasted_iota(jnp.int32, (NB, 1), 0)

    def body(k, carry):
        rms, ids, tanhs, vsum = carry
        rms_new = []
        n_col = jnp.zeros((B, 1), jnp.int32)
        m_col = jnp.zeros((B, 1), jnp.float32)
        for b in range(B):
            rmb = rms[b]
            mb = jnp.max(rmb)
            rb = jnp.min(jnp.where(rmb == mb, iota_r2, BIGI))
            sl = sa[b][pl.ds(rb, 1), :]
            nvec = rb * TN + lane1
            nb = jnp.min(jnp.where(sl == mb, nvec, BIGI))
            sl2 = jnp.where(nvec == nb, NEG, sl)
            sa[b][pl.ds(rb, 1), :] = sl2
            rms_new.append(jnp.where(iota_r2 == rb, jnp.max(sl2), rmb))
            n_col = jnp.where(iota_b == b, nb, n_col)
            m_col = jnp.where(iota_b == b, mb, m_col)
        ids = jnp.where(lanek == k, n_col, ids)
        tanhs = jnp.where(lanek == k, jnp.tanh(m_col), tanhs)
        return tuple(rms_new), ids, tanhs, vsum + m_col

    rms0 = tuple(jnp.max(a3[b], axis=1, keepdims=True) for b in range(B))
    ids0 = jnp.zeros((B, 128), jnp.int32)
    tanhs0 = jnp.zeros((B, 128), jnp.float32)
    _, ids, tanhs, vsum = lax.fori_loop(
        0, K, body, (rms0, ids0, tanhs0, jnp.zeros((B, 1), jnp.float32)))

    ids_ref[...] = ids
    fidx_ref[...] = ids + iota_b * N
    tanh_ref[...] = tanhs
    pol_ref[...] = jnp.broadcast_to(vsum / K - m04[:, :, 0] - logs[:, :, 0],
                                    (B, 128))


def _topk(raw):
    return pl.pallas_call(
        _topk_body,
        out_shape=[
            jax.ShapeDtypeStruct((B, 128), jnp.int32),
            jax.ShapeDtypeStruct((B, 128), jnp.int32),
            jax.ShapeDtypeStruct((B, 128), jnp.float32),
            jax.ShapeDtypeStruct((B, 128), jnp.float32),
            jax.ShapeDtypeStruct((B, 128), jnp.float32),
        ],
        scratch_shapes=[pltpu.VMEM((NB, TN), jnp.float32)] * B,
    )(raw)


def _sc_gather(table, fidx):
    rows = B * K
    nc, ns = 2, 16
    nw = nc * ns
    per_w = rows // nw
    mesh = plsc.VectorSubcoreMesh(core_axis_name="c", subcore_axis_name="s")

    @functools.partial(
        pl.kernel,
        out_type=jax.ShapeDtypeStruct((rows, D), jnp.float32),
        mesh=mesh,
        scratch_types=[
            pltpu.VMEM((per_w,), jnp.int32),
            pltpu.VMEM((per_w, D), jnp.float32),
            pltpu.SemaphoreType.DMA,
        ],
    )
    def gather_kernel(table_hbm, idx_hbm, out_hbm, idx_v, rows_v, sem):
        wid = lax.axis_index("s") * nc + lax.axis_index("c")
        base = wid * per_w
        pltpu.sync_copy(idx_hbm.at[pl.ds(base, per_w)], idx_v)
        pltpu.async_copy(table_hbm.at[idx_v], rows_v, sem).wait()
        pltpu.sync_copy(rows_v, out_hbm.at[pl.ds(base, per_w)])

    return gather_kernel(table, fidx)


def _gru_body(zg_ref, t_ref, q_ref, wu_ref, uu_ref, bu_ref,
              wr_ref, ur_ref, br_ref, wh_ref, uh_ref, bh_ref, out_ref):
    x = zg_ref[0]
    t_col = t_ref[0]
    q = q_ref[0]
    xt = (x * t_col).astype(jnp.bfloat16)

    def nt(w, z):
        return lax.dot_general(w.astype(jnp.bfloat16), z,
                               (((1,), (1,)), ((), ())),
                               preferred_element_type=jnp.float32)

    def nn(w, z):
        return jnp.dot(w.astype(jnp.bfloat16), z.astype(jnp.bfloat16),
                       preferred_element_type=jnp.float32)

    upd = jax.nn.sigmoid(nt(wu_ref[...], xt) + nn(uu_ref[...], q)
                         + bu_ref[...])
    rst = jax.nn.sigmoid(nt(wr_ref[...], xt) + nn(ur_ref[...], q)
                         + br_ref[...])
    hc = jnp.tanh(nt(wh_ref[...], xt) + nn(uh_ref[...], rst * q)
                  + bh_ref[...])
    out_ref[0] = (1.0 - upd) * q + upd * hc


def _gru(zg, tanh_sc, prev_q, wu, uu, bu, wr, ur, br, wh, uh, bh):
    wspec = pl.BlockSpec((K, K), lambda b: (0, 0))
    return pl.pallas_call(
        _gru_body,
        grid=(B,),
        in_specs=[
            pl.BlockSpec((1, K, K), lambda b: (b, 0, 0)),
            pl.BlockSpec((1, K, 1), lambda b: (b, 0, 0)),
            pl.BlockSpec((1, K, K), lambda b: (b, 0, 0)),
            wspec, wspec, wspec, wspec, wspec, wspec, wspec, wspec, wspec,
        ],
        out_specs=pl.BlockSpec((1, K, K), lambda b: (b, 0, 0)),
        out_shape=jax.ShapeDtypeStruct((B, K, K), jnp.float32),
    )(zg, tanh_sc, prev_q, wu, uu, bu, wr, ur, br, wh, uh, bh)


def kernel(prev_Z, prev_Q, mask, ht, W_map, b_map, W_upd, U_upd, bias_upd,
           W_rst, U_rst, bias_rst, W_htl, U_htl, bias_htl):
    scorer, inv = _scorer(ht, W_map.T, b_map.reshape(1, D))
    raw = _score(prev_Z, scorer, inv)
    ids, fidx, tanhs, ent, pol = _topk(raw)
    zg = _sc_gather(prev_Z.reshape(B * N, D), fidx.reshape(B * K))
    new_q = _gru(zg.reshape(B, K, D), tanhs.reshape(B, K, 1), prev_Q,
                 W_upd, U_upd, bias_upd, W_rst, U_rst, bias_rst,
                 W_htl, U_htl, bias_htl)
    return new_q, pol[:, 0], scorer, ent[:, 0], ids

# --- scband reference (transcript-rebuilt; emitter-appended) ---
"""Pipeline reference for scband-mat-gru-cell-26938034880815 (READ-ONLY COPY).

The authoritative reference and input builder live on the scoring server;
editing this copy changes nothing except your own understanding.
"""

import jax, jax.numpy as jnp
import numpy as np

B, N, D = 4, 50000, 256
RNN = 64
K = 128


def setup_inputs(seed: int = 0):
    key = jax.random.key(seed)
    ks = jax.random.split(key, 16)
    stdv = 1.0 / np.sqrt(K)
    lim = 1.0 / np.sqrt(RNN)
    inp = {
        "prev_Z": jax.random.normal(ks[0], (B, N, D), jnp.float32),
        "prev_Q": jax.random.normal(ks[1], (B, K, K), jnp.float32),
        "mask": jnp.ones((B, N), jnp.float32),
        "ht": jax.random.normal(ks[2], (B, RNN), jnp.float32),
        "W_map": jax.random.uniform(ks[3], (D, RNN), jnp.float32, -lim, lim),
        "b_map": jax.random.uniform(ks[4], (D,), jnp.float32, -lim, lim),
        "W_upd": jax.random.uniform(ks[5], (K, K), jnp.float32, -stdv, stdv),
        "U_upd": jax.random.uniform(ks[6], (K, K), jnp.float32, -stdv, stdv),
        "bias_upd": jnp.zeros((K, K), jnp.float32),
        "W_rst": jax.random.uniform(ks[7], (K, K), jnp.float32, -stdv, stdv),
        "U_rst": jax.random.uniform(ks[8], (K, K), jnp.float32, -stdv, stdv),
        "bias_rst": jnp.zeros((K, K), jnp.float32),
        "W_htl": jax.random.uniform(ks[9], (K, K), jnp.float32, -stdv, stdv),
        "U_htl": jax.random.uniform(ks[10], (K, K), jnp.float32, -stdv, stdv),
        "bias_htl": jnp.zeros((K, K), jnp.float32),
    }
    return inp


def _forward(prev_Z, prev_Q, mask, ht, W_map, b_map, W_upd, U_upd, bias_upd, W_rst, U_rst, bias_rst, W_htl, U_htl, bias_htl):
    # TopK_with_h: scorer = tanh(Linear(rnn_dim -> gcn_dim)(h_t.detach()))
    scorer = jnp.tanh(jnp.matmul(jax.lax.stop_gradient(ht), W_map.T) + b_map)  # [B, D]
    # scores = bmm(node_embs, scorer) / ||scorer||
    raw = jnp.einsum('bnd,bd->bn', prev_Z, scorer) / jnp.linalg.norm(scorer, axis=1, keepdims=True)  # [B, N]
    vals, topk_idx = jax.lax.top_k(raw, K)  # [B, K]
    # repeat_num = gcn_topk / k + 1; repeat then slice to gcn_topk -> identical indices since k == gcn_topk
    tanh_sc = jnp.tanh(jnp.take_along_axis(raw, topk_idx, axis=1))  # [B, K]
    # gather along dim 1 with index expanded to last-dim size gcn_topk (= first K feature columns)
    gathered = jnp.take_along_axis(prev_Z, topk_idx[:, :, None], axis=1)[:, :, :K]  # [B, K, K]
    out = gathered * tanh_sc[:, :, None]
    z_topk = jnp.transpose(out, (0, 2, 1))  # [B, K, K]
    # softmax over graph dim (nn.Softmax legacy dim=1 for 2D input)
    p = jax.nn.softmax(raw, axis=-1)
    entropy = -jnp.sum(p * jnp.log(p), axis=-1)  # Categorical entropy, [B]
    logp = jnp.log(p)
    policy_score = jnp.mean(jnp.take_along_axis(logp, topk_idx, axis=-1), axis=1)  # [B]
    # mat_GRU gates: W @ x + U @ hidden + bias
    update = jax.nn.sigmoid(jnp.matmul(W_upd, z_topk) + jnp.matmul(U_upd, prev_Q) + bias_upd)
    reset = jax.nn.sigmoid(jnp.matmul(W_rst, z_topk) + jnp.matmul(U_rst, prev_Q) + bias_rst)
    h_cap = jnp.tanh(jnp.matmul(W_htl, z_topk) + jnp.matmul(U_htl, reset * prev_Q) + bias_htl)
    new_Q = (1.0 - update) * prev_Q + update * h_cap
    return new_Q, policy_score, scorer, entropy, topk_idx


def reference(prev_Z, prev_Q, mask, ht, W_map, b_map, W_upd, U_upd, bias_upd, W_rst, U_rst, bias_rst, W_htl, U_htl, bias_htl):
    return _forward(prev_Z, prev_Q, mask, ht, W_map, b_map, W_upd, U_upd, bias_upd, W_rst, U_rst, bias_rst, W_htl, U_htl, bias_htl)

if __name__ == "__main__":
    import jax
    _d = setup_inputs()
    print(jax.jit(kernel)(*tuple(_d.values())))

</pallas_src>

<mosaic_0001>
#map = affine_map<(d0, d1) -> (0, 0)>
#map1 = affine_map<(d0, d1) -> (0)>
module attributes {stable_mosaic.version = 14 : i64} {
  func.func @gather_kernel(%arg0: i32, %arg1: i32, %arg2: memref<200000x256xf32, #tpu.memory_space<hbm>>, %arg3: memref<512xi32, #tpu.memory_space<hbm>>, %arg4: memref<512x256xf32, #tpu.memory_space<hbm>>, %arg5: memref<16xi32, #tpu.memory_space<vmem>>, %arg6: memref<16x256xf32, #tpu.memory_space<vmem>>, %arg7: memref<!tpu.dma_semaphore, #tpu.memory_space<semaphore_mem>>) attributes {dimension_semantics = [#tpu.dimension_semantics<core_parallel>, #tpu.dimension_semantics<subcore_parallel>], iteration_bounds = array<i64: 2, 16>, scalar_prefetch = 0 : i64, scratch_operands = 3 : i64, tpu.core_type = #tpu.core_type<sc_vector_subcore>, window_params = [{transform_indices = #map}, {transform_indices = #map1}, {transform_indices = #map}]} {
    %mul3A = arith.constant 2 : i32
    %mul3A_0 = arith.muli %arg1, %mul3A : i32
    %add3A = arith.addi %mul3A_0, %arg0 : i32
    %mul3A_1 = arith.constant 16 : i32
    %mul3A_2 = arith.muli %add3A, %mul3A_1 : i32
    "tpu.region"() ({
      %run_scoped3A = tpu.sem_alloc : memref<!tpu.dma_semaphore, #tpu.memory_space<semaphore_mem>>
      %dma_start3A_7 = tpu.memref_slice %arg3[%mul3A_2] : memref<512xi32, #tpu.memory_space<hbm>> -> memref<16xi32, #tpu.memory_space<hbm>>
      %dma_start3A_8 = tpu.memref_slice %arg3[%mul3A_2] : memref<512xi32, #tpu.memory_space<hbm>> -> memref<16xi32, #tpu.memory_space<hbm>>
      tpu.enqueue_dma source(%dma_start3A_8 : memref<16xi32, #tpu.memory_space<hbm>>) target(%arg5 : memref<16xi32, #tpu.memory_space<vmem>>) target_semaphore(%run_scoped3A : memref<!tpu.dma_semaphore, #tpu.memory_space<semaphore_mem>>)
      %dma_wait3A_9 = tpu.memref_slice %arg3[%mul3A_2] : memref<512xi32, #tpu.memory_space<hbm>> -> memref<16xi32, #tpu.memory_space<hbm>>
      %dma_wait3A_10 = tpu.memref_slice %arg3[%mul3A_2] : memref<512xi32, #tpu.memory_space<hbm>> -> memref<16xi32, #tpu.memory_space<hbm>>
      tpu.wait_dma2 semaphore(%run_scoped3A : memref<!tpu.dma_semaphore, #tpu.memory_space<semaphore_mem>>) src(%dma_wait3A_10 : memref<16xi32, #tpu.memory_space<hbm>>) dst(%arg5 : memref<16xi32, #tpu.memory_space<vmem>>)
      tpu.yield
    }) : () -> ()
    %dma_start3A = arith.constant 0 : i32
    %dma_start3A_3 = arith.constant 0 : i32
    %dma_start3A_4 = tpu.memref_slice %arg2[%dma_start3A, %dma_start3A_3] : memref<200000x256xf32, #tpu.memory_space<hbm>> -> memref<200000x256xf32, #tpu.memory_space<hbm>>
    tpu.enqueue_indirect_dma source(%dma_start3A_4 : memref<200000x256xf32, #tpu.memory_space<hbm>>) target(%arg6 : memref<16x256xf32, #tpu.memory_space<vmem>>) offsets(%arg5 : memref<16xi32, #tpu.memory_space<vmem>>) semaphore(%arg7 : memref<!tpu.dma_semaphore, #tpu.memory_space<semaphore_mem>>)
    %dma_wait3A = arith.constant 0 : i32
    %dma_wait3A_5 = arith.constant 0 : i32
    %dma_wait3A_6 = tpu.memref_slice %arg2[%dma_wait3A, %dma_wait3A_5] : memref<200000x256xf32, #tpu.memory_space<hbm>> -> memref<200000x256xf32, #tpu.memory_space<hbm>>
    tpu.wait_indirect_dma semaphore(%arg7 : memref<!tpu.dma_semaphore, #tpu.memory_space<semaphore_mem>>) src(%dma_wait3A_6 : memref<200000x256xf32, #tpu.memory_space<hbm>>) dst(%arg6 : memref<16x256xf32, #tpu.memory_space<vmem>>)
    "tpu.region"() ({
      %run_scoped3A = tpu.sem_alloc : memref<!tpu.dma_semaphore, #tpu.memory_space<semaphore_mem>>
      %dma_start3A_7 = arith.constant 0 : i32
      %dma_start3A_8 = tpu.memref_slice %arg4[%mul3A_2, %dma_start3A_7] : memref<512x256xf32, #tpu.memory_space<hbm>> -> memref<16x256xf32, #tpu.memory_space<hbm>>
      %dma_start3A_9 = arith.constant 0 : i32
      %dma_start3A_10 = tpu.memref_slice %arg4[%mul3A_2, %dma_start3A_9] : memref<512x256xf32, #tpu.memory_space<hbm>> -> memref<16x256xf32, #tpu.memory_space<hbm>>
      tpu.enqueue_dma source(%arg6 : memref<16x256xf32, #tpu.memory_space<vmem>>) target(%dma_start3A_10 : memref<16x256xf32, #tpu.memory_space<hbm>>) target_semaphore(%run_scoped3A : memref<!tpu.dma_semaphore, #tpu.memory_space<semaphore_mem>>)
      %dma_wait3A_11 = arith.constant 0 : i32
      %dma_wait3A_12 = tpu.memref_slice %arg4[%mul3A_2, %dma_wait3A_11] : memref<512x256xf32, #tpu.memory_space<hbm>> -> memref<16x256xf32, #tpu.memory_space<hbm>>
      %dma_wait3A_13 = arith.constant 0 : i32
      %dma_wait3A_14 = tpu.memref_slice %arg4[%mul3A_2, %dma_wait3A_13] : memref<512x256xf32, #tpu.memory_space<hbm>> -> memref<16x256xf32, #tpu.memory_space<hbm>>
      tpu.wait_dma2 semaphore(%run_scoped3A : memref<!tpu.dma_semaphore, #tpu.memory_space<semaphore_mem>>) src(%arg6 : memref<16x256xf32, #tpu.memory_space<vmem>>) dst(%dma_wait3A_14 : memref<16x256xf32, #tpu.memory_space<hbm>>)
      tpu.yield
    }) : () -> ()
    return
  }
}

module attributes {stable_mosaic.version = 14 : i64} {
  func.func @_scorer_body(%arg0: memref<4x64xf32, #tpu.memory_space<vmem>>, %arg1: memref<64x256xf32, #tpu.memory_space<vmem>>, %arg2: memref<1x256xf32, #tpu.memory_space<vmem>>, %arg3: memref<4x256xf32, #tpu.memory_space<vmem>>, %arg4: memref<4x128xf32, #tpu.memory_space<vmem>>) attributes {dimension_semantics = [], scalar_prefetch = 0 : i64, scratch_operands = 0 : i64, tpu.core_type = #tpu.core_type<tc>} {
    %get3A = arith.constant 0 : index
    %get3A_0 = arith.constant 0 : index
    %get3A_1 = vector.load %arg0[%get3A, %get3A_0] : memref<4x64xf32, #tpu.memory_space<vmem>>, vector<4x64xf32>
    %convert_element_type3A = arith.truncf %get3A_1 : vector<4x64xf32> to vector<4x64xbf16>
    %get3A_2 = arith.constant 0 : index
    %get3A_3 = arith.constant 0 : index
    %get3A_4 = vector.load %arg1[%get3A_2, %get3A_3] : memref<64x256xf32, #tpu.memory_space<vmem>>, vector<64x256xf32>
    %convert_element_type3A_5 = arith.truncf %get3A_4 : vector<64x256xf32> to vector<64x256xbf16>
    %dot_general3A = arith.constant dense<0.000000e+00> : vector<4x256xf32>
    %dot_general3A_6 = tpu.matmul %convert_element_type3A, %convert_element_type3A_5, %dot_general3A {dimension_numbers = #tpu.dot_dimension_numbers<[1], [0], [0], [1], [0, 0, 1, 1], [], []>, transpose_lhs_hint = false} : vector<4x64xbf16>, vector<64x256xbf16>, vector<4x256xf32> -> vector<4x256xf32>
    %get3A_7 = arith.constant 0 : index
    %get3A_8 = arith.constant 0 : index
    %get3A_9 = vector.load %arg2[%get3A_7, %get3A_8] : memref<1x256xf32, #tpu.memory_space<vmem>>, vector<1x256xf32>
    %add3A = vector.broadcast %get3A_9 : vector<1x256xf32> to vector<4x256xf32>
    %add3A_10 = arith.addf %dot_general3A_6, %add3A : vector<4x256xf32>
    %tanh3A = math.tanh %add3A_10 : vector<4x256xf32>
    %swap3A = arith.constant 0 : index
    %swap3A_11 = arith.constant 0 : index
    %swap3A_12 = vector.load %arg3[%swap3A, %swap3A_11] : memref<4x256xf32, #tpu.memory_space<vmem>>, vector<4x256xf32>
    tpu.vector_store %arg3[%swap3A, %swap3A_11], %tanh3A {strides = array<i32>} : memref<4x256xf32, #tpu.memory_space<vmem>>, vector<4x256xf32>,
    %mul3A = arith.mulf %tanh3A, %tanh3A : vector<4x256xf32>
    %reduce_sum3A = arith.constant dense<0.000000e+00> : vector<4xf32>
    %reduce_sum3A_13 = vector.multi_reduction <add>, %mul3A, %reduce_sum3A [1] : vector<4x256xf32> to vector<4xf32>
    %broadcast_in_dim3A = vector.shape_cast %reduce_sum3A_13 : vector<4xf32> to vector<4x1xf32>
    %rsqrt3A = math.rsqrt %broadcast_in_dim3A : vector<4x1xf32>
    %broadcast_in_dim3A_14 = vector.shape_cast %rsqrt3A : vector<4x1xf32> to vector<4x1xf32>
    %broadcast_in_dim3A_15 = vector.broadcast %broadcast_in_dim3A_14 : vector<4x1xf32> to vector<4x128xf32>
    %swap3A_16 = arith.constant 0 : index
    %swap3A_17 = arith.constant 0 : index
    %swap3A_18 = vector.load %arg4[%swap3A_16, %swap3A_17] : memref<4x128xf32, #tpu.memory_space<vmem>>, vector<4x128xf32>
    tpu.vector_store %arg4[%swap3A_16, %swap3A_17], %broadcast_in_dim3A_15 {strides = array<i32>} : memref<4x128xf32, #tpu.memory_space<vmem>>, vector<4x128xf32>,
    return
  }
}

module attributes {stable_mosaic.version = 14 : i64} {
  func.func @_topk_body(%arg0: memref<4x25x1x2048xf32, #tpu.memory_space<vmem>>, %arg1: memref<4x128xi32, #tpu.memory_space<vmem>>, %arg2: memref<4x128xi32, #tpu.memory_space<vmem>>, %arg3: memref<4x128xf32, #tpu.memory_space<vmem>>, %arg4: memref<4x128xf32, #tpu.memory_space<vmem>>, %arg5: memref<4x128xf32, #tpu.memory_space<vmem>>, %arg6: memref<25x2048xf32, #tpu.memory_space<vmem>>, %arg7: memref<25x2048xf32, #tpu.memory_space<vmem>>, %arg8: memref<25x2048xf32, #tpu.memory_space<vmem>>, %arg9: memref<25x2048xf32, #tpu.memory_space<vmem>>) attributes {dimension_semantics = [], scalar_prefetch = 0 : i64, scratch_operands = 4 : i64, tpu.core_type = #tpu.core_type<tc>} {
    %get3A = arith.constant 0 : index
    %get3A_0 = arith.constant 0 : index
    %get3A_1 = arith.constant 0 : index
    %get3A_2 = arith.constant 0 : index
    %get3A_3 = vector.load %arg0[%get3A, %get3A_0, %get3A_1, %get3A_2] : memref<4x25x1x2048xf32, #tpu.memory_space<vmem>>, vector<4x25x1x2048xf32>
    %get3A_4 = vector.shape_cast %get3A_3 : vector<4x25x1x2048xf32> to vector<4x25x2048xf32>
    %iota3A = tpu.iota {dimensions = array<i32: 1>} : vector<4x25x2048xi32>
    %iota3A_5 = tpu.iota {dimensions = array<i32: 2>} : vector<4x25x2048xi32>
    %mul3A = arith.constant 2048 : i32
    %mul3A_6 = vector.broadcast %mul3A : i32 to vector<4x25x2048xi32>
    %mul3A_7 = arith.muli %iota3A, %mul3A_6 : vector<4x25x2048xi32>
    %add3A = arith.addi %mul3A_7, %iota3A_5 : vector<4x25x2048xi32>
    %lt3A = arith.constant 50000 : i32
    %lt3A_8 = vector.broadcast %lt3A : i32 to vector<4x25x2048xi32>
    %lt3A_9 = arith.cmpi slt, %add3A, %lt3A_8 : vector<4x25x2048xi32>
    %jit3A = arith.constant -1.000000e+30 : f32
    %broadcast_in_dim3A = vector.broadcast %jit3A : f32 to vector<4x25x2048xf32>
    %select_n3A = arith.select %lt3A_9, %get3A_4, %broadcast_in_dim3A : vector<4x25x2048xi1>, vector<4x25x2048xf32>
    %reduce_max3A = arith.constant dense<0xFF800000> : vector<4xf32>
    %reduce_max3A_10 = vector.multi_reduction <maximumf>, %select_n3A, %reduce_max3A [1, 2] : vector<4x25x2048xf32> to vector<4xf32>
    %broadcast_in_dim3A_11 = vector.shape_cast %reduce_max3A_10 : vector<4xf32> to vector<4x1x1xf32>
    %sub3A = vector.broadcast %broadcast_in_dim3A_11 : vector<4x1x1xf32> to vector<4x25x2048xf32>
    %sub3A_12 = arith.subf %select_n3A, %sub3A : vector<4x25x2048xf32>
    %exp3A = math.exp %sub3A_12 : vector<4x25x2048xf32>
    %reduce_sum3A = arith.constant dense<0.000000e+00> : vector<4xf32>
    %reduce_sum3A_13 = vector.multi_reduction <add>, %exp3A, %reduce_sum3A [1, 2] : vector<4x25x2048xf32> to vector<4xf32>
    %broadcast_in_dim3A_14 = vector.shape_cast %reduce_sum3A_13 : vector<4xf32> to vector<4x1x1xf32>
    %log3A = math.log %broadcast_in_dim3A_14 : vector<4x1x1xf32>
    %sub3A_15 = vector.broadcast %broadcast_in_dim3A_11 : vector<4x1x1xf32> to vector<4x25x2048xf32>
    %sub3A_16 = arith.subf %select_n3A, %sub3A_15 : vector<4x25x2048xf32>
    %sub3A_17 = vector.broadcast %log3A : vector<4x1x1xf32> to vector<4x25x2048xf32>
    %sub3A_18 = arith.subf %sub3A_16, %sub3A_17 : vector<4x25x2048xf32>
    %mul3A_19 = arith.mulf %exp3A, %sub3A_18 : vector<4x25x2048xf32>
    %reduce_sum3A_20 = arith.constant dense<0.000000e+00> : vector<4xf32>
    %reduce_sum3A_21 = vector.multi_reduction <add>, %mul3A_19, %reduce_sum3A_20 [1, 2] : vector<4x25x2048xf32> to vector<4xf32>
    %broadcast_in_dim3A_22 = vector.shape_cast %reduce_sum3A_21 : vector<4xf32> to vector<4x1x1xf32>
    %neg3A = arith.constant 0.000000e+00 : f32
    %neg3A_23 = vector.broadcast %neg3A : f32 to vector<4x1x1xf32>
    %neg3A_24 = arith.subf %neg3A_23, %broadcast_in_dim3A_22 : vector<4x1x1xf32>
    %div3A = arith.divf %neg3A_24, %broadcast_in_dim3A_14 : vector<4x1x1xf32>
    %squeeze3A = vector.shape_cast %div3A : vector<4x1x1xf32> to vector<4x1xf32>
    %broadcast_in_dim3A_25 = vector.shape_cast %squeeze3A : vector<4x1xf32> to vector<4x1xf32>
    %broadcast_in_dim3A_26 = vector.broadcast %broadcast_in_dim3A_25 : vector<4x1xf32> to vector<4x128xf32>
    %swap3A = arith.constant 0 : index
    %swap3A_27 = arith.constant 0 : index
    %swap3A_28 = vector.load %arg4[%swap3A, %swap3A_27] : memref<4x128xf32, #tpu.memory_space<vmem>>, vector<4x128xf32>
    tpu.vector_store %arg4[%swap3A, %swap3A_27], %broadcast_in_dim3A_26 {strides = array<i32>} : memref<4x128xf32, #tpu.memory_space<vmem>>, vector<4x128xf32>,
    %slice3A = vector.extract_strided_slice %select_n3A {offsets = [0, 0, 0], sizes = [1, 25, 2048], strides = [1, 1, 1]} : vector<4x25x2048xf32> to vector<1x25x2048xf32>
    %squeeze3A_29 = vector.shape_cast %slice3A : vector<1x25x2048xf32> to vector<25x2048xf32>
    %swap3A_30 = arith.constant 0 : index
    %swap3A_31 = arith.constant 0 : index
    %swap3A_32 = vector.load %arg6[%swap3A_30, %swap3A_31] : memref<25x2048xf32, #tpu.memory_space<vmem>>, vector<25x2048xf32>
    tpu.vector_store %arg6[%swap3A_30, %swap3A_31], %squeeze3A_29 {strides = array<i32>} : memref<25x2048xf32, #tpu.memory_space<vmem>>, vector<25x2048xf32>,
    %slice3A_33 = vector.extract_strided_slice %select_n3A {offsets = [1, 0, 0], sizes = [1, 25, 2048], strides = [1, 1, 1]} : vector<4x25x2048xf32> to vector<1x25x2048xf32>
    %squeeze3A_34 = vector.shape_cast %slice3A_33 : vector<1x25x2048xf32> to vector<25x2048xf32>
    %swap3A_35 = arith.constant 0 : index
    %swap3A_36 = arith.constant 0 : index
    %swap3A_37 = vector.load %arg7[%swap3A_35, %swap3A_36] : memref<25x2048xf32, #tpu.memory_space<vmem>>, vector<25x2048xf32>
    tpu.vector_store %arg7[%swap3A_35, %swap3A_36], %squeeze3A_34 {strides = array<i32>} : memref<25x2048xf32, #tpu.memory_space<vmem>>, vector<25x2048xf32>,
    %slice3A_38 = vector.extract_strided_slice %select_n3A {offsets = [2, 0, 0], sizes = [1, 25, 2048], strides = [1, 1, 1]} : vector<4x25x2048xf32> to vector<1x25x2048xf32>
    %squeeze3A_39 = vector.shape_cast %slice3A_38 : vector<1x25x2048xf32> to vector<25x2048xf32>
    %swap3A_40 = arith.constant 0 : index
    %swap3A_41 = arith.constant 0 : index
    %swap3A_42 = vector.load %arg8[%swap3A_40, %swap3A_41] : memref<25x2048xf32, #tpu.memory_space<vmem>>, vector<25x2048xf32>
    tpu.vector_store %arg8[%swap3A_40, %swap3A_41], %squeeze3A_39 {strides = array<i32>} : memref<25x2048xf32, #tpu.memory_space<vmem>>, vector<25x2048xf32>,
    %slice3A_43 = vector.extract_strided_slice %select_n3A {offsets = [3, 0, 0], sizes = [1, 25, 2048], strides = [1, 1, 1]} : vector<4x25x2048xf32> to vector<1x25x2048xf32>
    %squeeze3A_44 = vector.shape_cast %slice3A_43 : vector<1x25x2048xf32> to vector<25x2048xf32>
    %swap3A_45 = arith.constant 0 : index
    %swap3A_46 = arith.constant 0 : index
    %swap3A_47 = vector.load %arg9[%swap3A_45, %swap3A_46] : memref<25x2048xf32, #tpu.memory_space<vmem>>, vector<25x2048xf32>
    tpu.vector_store %arg9[%swap3A_45, %swap3A_46], %squeeze3A_44 {strides = array<i32>} : memref<25x2048xf32, #tpu.memory_space<vmem>>, vector<25x2048xf32>,
    %iota3A_48 = tpu.iota {dimensions = array<i32: 1>} : vector<1x2048xi32>
    %iota3A_49 = tpu.iota {dimensions = array<i32: 1>} : vector<1x128xi32>
    %iota3A_50 = tpu.iota {dimensions = array<i32: 0>} : vector<4x1xi32>
    %iota3A_51 = tpu.iota {dimensions = array<i32: 0>} : vector<25x1xi32>
    %slice3A_52 = vector.extract_strided_slice %select_n3A {offsets = [0, 0, 0], sizes = [1, 25, 2048], strides = [1, 1, 1]} : vector<4x25x2048xf32> to vector<1x25x2048xf32>
    %squeeze3A_53 = vector.shape_cast %slice3A_52 : vector<1x25x2048xf32> to vector<25x2048xf32>
    %reduce_max3A_54 = arith.constant dense<0xFF800000> : vector<25xf32>
    %reduce_max3A_55 = vector.multi_reduction <maximumf>, %squeeze3A_53, %reduce_max3A_54 [1] : vector<25x2048xf32> to vector<25xf32>
    %broadcast_in_dim3A_56 = vector.shape_cast %reduce_max3A_55 : vector<25xf32> to vector<25x1xf32>
    %slice3A_57 = vector.extract_strided_slice %select_n3A {offsets = [1, 0, 0], sizes = [1, 25, 2048], strides = [1, 1, 1]} : vector<4x25x2048xf32> to vector<1x25x2048xf32>
    %squeeze3A_58 = vector.shape_cast %slice3A_57 : vector<1x25x2048xf32> to vector<25x2048xf32>
    %reduce_max3A_59 = arith.constant dense<0xFF800000> : vector<25xf32>
    %reduce_max3A_60 = vector.multi_reduction <maximumf>, %squeeze3A_58, %reduce_max3A_59 [1] : vector<25x2048xf32> to vector<25xf32>
    %broadcast_in_dim3A_61 = vector.shape_cast %reduce_max3A_60 : vector<25xf32> to vector<25x1xf32>
    %slice3A_62 = vector.extract_strided_slice %select_n3A {offsets = [2, 0, 0], sizes = [1, 25, 2048], strides = [1, 1, 1]} : vector<4x25x2048xf32> to vector<1x25x2048xf32>
    %squeeze3A_63 = vector.shape_cast %slice3A_62 : vector<1x25x2048xf32> to vector<25x2048xf32>
    %reduce_max3A_64 = arith.constant dense<0xFF800000> : vector<25xf32>
    %reduce_max3A_65 = vector.multi_reduction <maximumf>, %squeeze3A_63, %reduce_max3A_64 [1] : vector<25x2048xf32> to vector<25xf32>
    %broadcast_in_dim3A_66 = vector.shape_cast %reduce_max3A_65 : vector<25xf32> to vector<25x1xf32>
    %slice3A_67 = vector.extract_strided_slice %select_n3A {offsets = [3, 0, 0], sizes = [1, 25, 2048], strides = [1, 1, 1]} : vector<4x25x2048xf32> to vector<1x25x2048xf32>
    %squeeze3A_68 = vector.shape_cast %slice3A_67 : vector<1x25x2048xf32> to vector<25x2048xf32>
    %reduce_max3A_69 = arith.constant dense<0xFF800000> : vector<25xf32>
    %reduce_max3A_70 = vector.multi_reduction <maximumf>, %squeeze3A_68, %reduce_max3A_69 [1] : vector<25x2048xf32> to vector<25xf32>
    %broadcast_in_dim3A_71 = vector.shape_cast %reduce_max3A_70 : vector<25xf32> to vector<25x1xf32>
    %broadcast_in_dim3A_72 = arith.constant 0 : i32
    %broadcast_in_dim3A_73 = vector.broadcast %broadcast_in_dim3A_72 : i32 to vector<4x128xi32>
    %broadcast_in_dim3A_74 = arith.constant 0.000000e+00 : f32
    %broadcast_in_dim3A_75 = vector.broadcast %broadcast_in_dim3A_74 : f32 to vector<4x128xf32>
    %broadcast_in_dim3A_76 = arith.constant 0.000000e+00 : f32
    %broadcast_in_dim3A_77 = vector.broadcast %broadcast_in_dim3A_76 : f32 to vector<4x1xf32>
    %scan3A = arith.constant 0 : i32
    %scan3A_78 = arith.constant 128 : i32
    %scan3A_79 = arith.addi %scan3A, %scan3A_78 : i32
    %scan3A_80 = arith.constant 1 : i32
    %scan3A_81:7 = scf.for %scan3A_109 = %scan3A to %scan3A_79 step %scan3A_80 iter_args(%scan3A_110 = %broadcast_in_dim3A_56, %scan3A_111 = %broadcast_in_dim3A_61, %scan3A_112 = %broadcast_in_dim3A_66, %scan3A_113 = %broadcast_in_dim3A_71, %scan3A_114 = %broadcast_in_dim3A_73, %scan3A_115 = %broadcast_in_dim3A_75, %scan3A_116 = %broadcast_in_dim3A_77) -> (vector<25x1xf32>, vector<25x1xf32>, vector<25x1xf32>, vector<25x1xf32>, vector<4x128xi32>, vector<4x128xf32>, vector<4x1xf32>)  : i32 {
      %broadcast_in_dim3A_117 = arith.constant 0 : i32
      %broadcast_in_dim3A_118 = vector.broadcast %broadcast_in_dim3A_117 : i32 to vector<4x1xi32>
      %broadcast_in_dim3A_119 = arith.constant 0.000000e+00 : f32
      %broadcast_in_dim3A_120 = vector.broadcast %broadcast_in_dim3A_119 : f32 to vector<4x1xf32>
      %reduce_max3A_121 = vector.shape_cast %scan3A_110 : vector<25x1xf32> to vector<1x25x1xf32>
      %reduce_max3A_122 = arith.constant dense<0xFF800000> : vector<1xf32>
      %reduce_max3A_123 = vector.multi_reduction <maximumf>, %reduce_max3A_121, %reduce_max3A_122 [1, 2] : vector<1x25x1xf32> to vector<1xf32>
      %reduce_max3A_124 = vector.shape_cast %reduce_max3A_123 : vector<1xf32> to vector<1x1x1xf32>
      %reduce_max3A_125 = vector.extract %reduce_max3A_124[0, 0, 0] : f32 from vector<1x1x1xf32>
      %eq3A = vector.broadcast %reduce_max3A_125 : f32 to vector<25x1xf32>
      %eq3A_126 = arith.cmpf oeq, %scan3A_110, %eq3A : vector<25x1xf32>
      %jit3A_127 = arith.constant 1073741824 : i32
      %broadcast_in_dim3A_128 = vector.broadcast %jit3A_127 : i32 to vector<25x1xi32>
      %select_n3A_129 = arith.select %eq3A_126, %iota3A_51, %broadcast_in_dim3A_128 : vector<25x1xi1>, vector<25x1xi32>
      %reduce_min3A = vector.shape_cast %select_n3A_129 : vector<25x1xi32> to vector<1x25x1xi32>
      %reduce_min3A_130 = arith.constant dense<2147483647> : vector<1xi32>
      %reduce_min3A_131 = vector.multi_reduction <minsi>, %reduce_min3A, %reduce_min3A_130 [1, 2] : vector<1x25x1xi32> to vector<1xi32>
      %reduce_min3A_132 = vector.shape_cast %reduce_min3A_131 : vector<1xi32> to vector<1x1x1xi32>
      %reduce_min3A_133 = vector.extract %reduce_min3A_132[0, 0, 0] : i32 from vector<1x1x1xi32>
      %get3A_134 = arith.index_cast %reduce_min3A_133 : i32 to index
      %get3A_135 = arith.constant 0 : index
      %get3A_136 = vector.load %arg6[%get3A_134, %get3A_135] : memref<25x2048xf32, #tpu.memory_space<vmem>>, vector<1x2048xf32>
      %mul3A_137 = arith.constant 2048 : i32
      %mul3A_138 = arith.muli %reduce_min3A_133, %mul3A_137 : i32
      %add3A_139 = vector.broadcast %mul3A_138 : i32 to vector<1x2048xi32>
      %add3A_140 = arith.addi %add3A_139, %iota3A_48 : vector<1x2048xi32>
      %eq3A_141 = vector.broadcast %reduce_max3A_125 : f32 to vector<1x2048xf32>
      %eq3A_142 = arith.cmpf oeq, %get3A_136, %eq3A_141 : vector<1x2048xf32>
      %jit3A_143 = arith.constant 1073741824 : i32
      %broadcast_in_dim3A_144 = vector.broadcast %jit3A_143 : i32 to vector<1x2048xi32>
      %select_n3A_145 = arith.select %eq3A_142, %add3A_140, %broadcast_in_dim3A_144 : vector<1x2048xi1>, vector<1x2048xi32>
      %reduce_min3A_146 = vector.shape_cast %select_n3A_145 : vector<1x2048xi32> to vector<1x1x2048xi32>
      %reduce_min3A_147 = arith.constant dense<2147483647> : vector<1xi32>
      %reduce_min3A_148 = vector.multi_reduction <minsi>, %reduce_min3A_146, %reduce_min3A_147 [1, 2] : vector<1x1x2048xi32> to vector<1xi32>
      %reduce_min3A_149 = vector.shape_cast %reduce_min3A_148 : vector<1xi32> to vector<1x1x1xi32>
      %reduce_min3A_150 = vector.extract %reduce_min3A_149[0, 0, 0] : i32 from vector<1x1x1xi32>
      %eq3A_151 = vector.broadcast %reduce_min3A_150 : i32 to vector<1x2048xi32>
      %eq3A_152 = arith.cmpi eq, %add3A_140, %eq3A_151 : vector<1x2048xi32>
      %jit3A_153 = arith.constant -1.000000e+30 : f32
      %broadcast_in_dim3A_154 = vector.broadcast %jit3A_153 : f32 to vector<1x2048xf32>
      %select_n3A_155 = arith.select %eq3A_152, %broadcast_in_dim3A_154, %get3A_136 : vector<1x2048xi1>, vector<1x2048xf32>
      %swap3A_156 = arith.index_cast %reduce_min3A_133 : i32 to index
      %swap3A_157 = arith.constant 0 : index
      %swap3A_158 = vector.load %arg6[%swap3A_156, %swap3A_157] : memref<25x2048xf32, #tpu.memory_space<vmem>>, vector<1x2048xf32>
      tpu.vector_store %arg6[%swap3A_156, %swap3A_157], %select_n3A_155 {strides = array<i32>} : memref<25x2048xf32, #tpu.memory_space<vmem>>, vector<1x2048xf32>,
      %eq3A_159 = vector.broadcast %reduce_min3A_133 : i32 to vector<25x1xi32>
      %eq3A_160 = arith.cmpi eq, %iota3A_51, %eq3A_159 : vector<25x1xi32>
      %reduce_max3A_161 = vector.shape_cast %select_n3A_155 : vector<1x2048xf32> to vector<1x1x2048xf32>
      %reduce_max3A_162 = arith.constant dense<0xFF800000> : vector<1xf32>
      %reduce_max3A_163 = vector.multi_reduction <maximumf>, %reduce_max3A_161, %reduce_max3A_162 [1, 2] : vector<1x1x2048xf32> to vector<1xf32>
      %reduce_max3A_164 = vector.shape_cast %reduce_max3A_163 : vector<1xf32> to vector<1x1x1xf32>
      %reduce_max3A_165 = vector.extract %reduce_max3A_164[0, 0, 0] : f32 from vector<1x1x1xf32>
      %broadcast_in_dim3A_166 = vector.broadcast %reduce_max3A_165 : f32 to vector<25x1xf32>
      %select_n3A_167 = arith.select %eq3A_160, %broadcast_in_dim3A_166, %scan3A_110 : vector<25x1xi1>, vector<25x1xf32>
      %eq3A_168 = arith.constant 0 : i32
      %eq3A_169 = vector.broadcast %eq3A_168 : i32 to vector<4x1xi32>
      %eq3A_170 = arith.cmpi eq, %iota3A_50, %eq3A_169 : vector<4x1xi32>
      %broadcast_in_dim3A_171 = vector.broadcast %reduce_min3A_150 : i32 to vector<4x1xi32>
      %select_n3A_172 = arith.select %eq3A_170, %broadcast_in_dim3A_171, %broadcast_in_dim3A_118 : vector<4x1xi1>, vector<4x1xi32>
      %eq3A_173 = arith.constant 0 : i32
      %eq3A_174 = vector.broadcast %eq3A_173 : i32 to vector<4x1xi32>
      %eq3A_175 = arith.cmpi eq, %iota3A_50, %eq3A_174 : vector<4x1xi32>
      %broadcast_in_dim3A_176 = vector.broadcast %reduce_max3A_125 : f32 to vector<4x1xf32>
      %select_n3A_177 = arith.select %eq3A_175, %broadcast_in_dim3A_176, %broadcast_in_dim3A_120 : vector<4x1xi1>, vector<4x1xf32>
      %reduce_max3A_178 = vector.shape_cast %scan3A_111 : vector<25x1xf32> to vector<1x25x1xf32>
      %reduce_max3A_179 = arith.constant dense<0xFF800000> : vector<1xf32>
      %reduce_max3A_180 = vector.multi_reduction <maximumf>, %reduce_max3A_178, %reduce_max3A_179 [1, 2] : vector<1x25x1xf32> to vector<1xf32>
      %reduce_max3A_181 = vector.shape_cast %reduce_max3A_180 : vector<1xf32> to vector<1x1x1xf32>
      %reduce_max3A_182 = vector.extract %reduce_max3A_181[0, 0, 0] : f32 from vector<1x1x1xf32>
      %eq3A_183 = vector.broadcast %reduce_max3A_182 : f32 to vector<25x1xf32>
      %eq3A_184 = arith.cmpf oeq, %scan3A_111, %eq3A_183 : vector<25x1xf32>
      %jit3A_185 = arith.constant 1073741824 : i32
      %broadcast_in_dim3A_186 = vector.broadcast %jit3A_185 : i32 to vector<25x1xi32>
      %select_n3A_187 = arith.select %eq3A_184, %iota3A_51, %broadcast_in_dim3A_186 : vector<25x1xi1>, vector<25x1xi32>
      %reduce_min3A_188 = vector.shape_cast %select_n3A_187 : vector<25x1xi32> to vector<1x25x1xi32>
      %reduce_min3A_189 = arith.constant dense<2147483647> : vector<1xi32>
      %reduce_min3A_190 = vector.multi_reduction <minsi>, %reduce_min3A_188, %reduce_min3A_189 [1, 2] : vector<1x25x1xi32> to vector<1xi32>
      %reduce_min3A_191 = vector.shape_cast %reduce_min3A_190 : vector<1xi32> to vector<1x1x1xi32>
      %reduce_min3A_192 = vector.extract %reduce_min3A_191[0, 0, 0] : i32 from vector<1x1x1xi32>
      %get3A_193 = arith.index_cast %reduce_min3A_192 : i32 to index
      %get3A_194 = arith.constant 0 : index
      %get3A_195 = vector.load %arg7[%get3A_193, %get3A_194] : memref<25x2048xf32, #tpu.memory_space<vmem>>, vector<1x2048xf32>
      %mul3A_196 = arith.constant 2048 : i32
      %mul3A_197 = arith.muli %reduce_min3A_192, %mul3A_196 : i32
      %add3A_198 = vector.broadcast %mul3A_197 : i32 to vector<1x2048xi32>
      %add3A_199 = arith.addi %add3A_198, %iota3A_48 : vector<1x2048xi32>
      %eq3A_200 = vector.broadcast %reduce_max3A_182 : f32 to vector<1x2048xf32>
      %eq3A_201 = arith.cmpf oeq, %get3A_195, %eq3A_200 : vector<1x2048xf32>
      %jit3A_202 = arith.constant 1073741824 : i32
      %broadcast_in_dim3A_203 = vector.broadcast %jit3A_202 : i32 to vector<1x2048xi32>
      %select_n3A_204 = arith.select %eq3A_201, %add3A_199, %broadcast_in_dim3A_203 : vector<1x2048xi1>, vector<1x2048xi32>
      %reduce_min3A_205 = vector.shape_cast %select_n3A_204 : vector<1x2048xi32> to vector<1x1x2048xi32>
      %reduce_min3A_206 = arith.constant dense<2147483647> : vector<1xi32>
      %reduce_min3A_207 = vector.multi_reduction <minsi>, %reduce_min3A_205, %reduce_min3A_206 [1, 2] : vector<1x1x2048xi32> to vector<1xi32>
      %reduce_min3A_208 = vector.shape_cast %reduce_min3A_207 : vector<1xi32> to vector<1x1x1xi32>
      %reduce_min3A_209 = vector.extract %reduce_min3A_208[0, 0, 0] : i32 from vector<1x1x1xi32>
      %eq3A_210 = vector.broadcast %reduce_min3A_209 : i32 to vector<1x2048xi32>
      %eq3A_211 = arith.cmpi eq, %add3A_199, %eq3A_210 : vector<1x2048xi32>
      %jit3A_212 = arith.constant -1.000000e+30 : f32
      %broadcast_in_dim3A_213 = vector.broadcast %jit3A_212 : f32 to vector<1x2048xf32>
      %select_n3A_214 = arith.select %eq3A_211, %broadcast_in_dim3A_213, %get3A_195 : vector<1x2048xi1>, vector<1x2048xf32>
      %swap3A_215 = arith.index_cast %reduce_min3A_192 : i32 to index
      %swap3A_216 = arith.constant 0 : index
      %swap3A_217 = vector.load %arg7[%swap3A_215, %swap3A_216] : memref<25x2048xf32, #tpu.memory_space<vmem>>, vector<1x2048xf32>
      tpu.vector_store %arg7[%swap3A_215, %swap3A_216], %select_n3A_214 {strides = array<i32>} : memref<25x2048xf32, #tpu.memory_space<vmem>>, vector<1x2048xf32>,
      %eq3A_218 = vector.broadcast %reduce_min3A_192 : i32 to vector<25x1xi32>
      %eq3A_219 = arith.cmpi eq, %iota3A_51, %eq3A_218 : vector<25x1xi32>
      %reduce_max3A_220 = vector.shape_cast %select_n3A_214 : vector<1x2048xf32> to vector<1x1x2048xf32>
      %reduce_max3A_221 = arith.constant dense<0xFF800000> : vector<1xf32>
      %reduce_max3A_222 = vector.multi_reduction <maximumf>, %reduce_max3A_220, %reduce_max3A_221 [1, 2] : vector<1x1x2048xf32> to vector<1xf32>
      %reduce_max3A_223 = vector.shape_cast %reduce_max3A_222 : vector<1xf32> to vector<1x1x1xf32>
      %reduce_max3A_224 = vector.extract %reduce_max3A_223[0, 0, 0] : f32 from vector<1x1x1xf32>
      %broadcast_in_dim3A_225 = vector.broadcast %reduce_max3A_224 : f32 to vector<25x1xf32>
      %select_n3A_226 = arith.select %eq3A_219, %broadcast_in_dim3A_225, %scan3A_111 : vector<25x1xi1>, vector<25x1xf32>
      %eq3A_227 = arith.constant 1 : i32
      %eq3A_228 = vector.broadcast %eq3A_227 : i32 to vector<4x1xi32>
      %eq3A_229 = arith.cmpi eq, %iota3A_50, %eq3A_228 : vector<4x1xi32>
      %broadcast_in_dim3A_230 = vector.broadcast %reduce_min3A_209 : i32 to vector<4x1xi32>
      %select_n3A_231 = arith.select %eq3A_229, %broadcast_in_dim3A_230, %select_n3A_172 : vector<4x1xi1>, vector<4x1xi32>
      %eq3A_232 = arith.constant 1 : i32
      %eq3A_233 = vector.broadcast %eq3A_232 : i32 to vector<4x1xi32>
      %eq3A_234 = arith.cmpi eq, %iota3A_50, %eq3A_233 : vector<4x1xi32>
      %broadcast_in_dim3A_235 = vector.broadcast %reduce_max3A_182 : f32 to vector<4x1xf32>
      %select_n3A_236 = arith.select %eq3A_234, %broadcast_in_dim3A_235, %select_n3A_177 : vector<4x1xi1>, vector<4x1xf32>
      %reduce_max3A_237 = vector.shape_cast %scan3A_112 : vector<25x1xf32> to vector<1x25x1xf32>
      %reduce_max3A_238 = arith.constant dense<0xFF800000> : vector<1xf32>
      %reduce_max3A_239 = vector.multi_reduction <maximumf>, %reduce_max3A_237, %reduce_max3A_238 [1, 2] : vector<1x25x1xf32> to vector<1xf32>
      %reduce_max3A_240 = vector.shape_cast %reduce_max3A_239 : vector<1xf32> to vector<1x1x1xf32>
      %reduce_max3A_241 = vector.extract %reduce_max3A_240[0, 0, 0] : f32 from vector<1x1x1xf32>
      %eq3A_242 = vector.broadcast %reduce_max3A_241 : f32 to vector<25x1xf32>
      %eq3A_243 = arith.cmpf oeq, %scan3A_112, %eq3A_242 : vector<25x1xf32>
      %jit3A_244 = arith.constant 1073741824 : i32
      %broadcast_in_dim3A_245 = vector.broadcast %jit3A_244 : i32 to vector<25x1xi32>
      %select_n3A_246 = arith.select %eq3A_243, %iota3A_51, %broadcast_in_dim3A_245 : vector<25x1xi1>, vector<25x1xi32>
      %reduce_min3A_247 = vector.shape_cast %select_n3A_246 : vector<25x1xi32> to vector<1x25x1xi32>
      %reduce_min3A_248 = arith.constant dense<2147483647> : vector<1xi32>
      %reduce_min3A_249 = vector.multi_reduction <minsi>, %reduce_min3A_247, %reduce_min3A_248 [1, 2] : vector<1x25x1xi32> to vector<1xi32>
      %reduce_min3A_250 = vector.shape_cast %reduce_min3A_249 : vector<1xi32> to vector<1x1x1xi32>
      %reduce_min3A_251 = vector.extract %reduce_min3A_250[0, 0, 0] : i32 from vector<1x1x1xi32>
      %get3A_252 = arith.index_cast %reduce_min3A_251 : i32 to index
      %get3A_253 = arith.constant 0 : index
      %get3A_254 = vector.load %arg8[%get3A_252, %get3A_253] : memref<25x2048xf32, #tpu.memory_space<vmem>>, vector<1x2048xf32>
      %mul3A_255 = arith.constant 2048 : i32
      %mul3A_256 = arith.muli %reduce_min3A_251, %mul3A_255 : i32
      %add3A_257 = vector.broadcast %mul3A_256 : i32 to vector<1x2048xi32>
      %add3A_258 = arith.addi %add3A_257, %iota3A_48 : vector<1x2048xi32>
      %eq3A_259 = vector.broadcast %reduce_max3A_241 : f32 to vector<1x2048xf32>
      %eq3A_260 = arith.cmpf oeq, %get3A_254, %eq3A_259 : vector<1x2048xf32>
      %jit3A_261 = arith.constant 1073741824 : i32
      %broadcast_in_dim3A_262 = vector.broadcast %jit3A_261 : i32 to vector<1x2048xi32>
      %select_n3A_263 = arith.select %eq3A_260, %add3A_258, %broadcast_in_dim3A_262 : vector<1x2048xi1>, vector<1x2048xi32>
      %reduce_min3A_264 = vector.shape_cast %select_n3A_263 : vector<1x2048xi32> to vector<1x1x2048xi32>
      %reduce_min3A_265 = arith.constant dense<2147483647> : vector<1xi32>
      %reduce_min3A_266 = vector.multi_reduction <minsi>, %reduce_min3A_264, %reduce_min3A_265 [1, 2] : vector<1x1x2048xi32> to vector<1xi32>
      %reduce_min3A_267 = vector.shape_cast %reduce_min3A_266 : vector<1xi32> to vector<1x1x1xi32>
      %reduce_min3A_268 = vector.extract %reduce_min3A_267[0, 0, 0] : i32 from vector<1x1x1xi32>
      %eq3A_269 = vector.broadcast %reduce_min3A_268 : i32 to vector<1x2048xi32>
      %eq3A_270 = arith.cmpi eq, %add3A_258, %eq3A_269 : vector<1x2048xi32>
      %jit3A_271 = arith.constant -1.000000e+30 : f32
      %broadcast_in_dim3A_272 = vector.broadcast %jit3A_271 : f32 to vector<1x2048xf32>
      %select_n3A_273 = arith.select %eq3A_270, %broadcast_in_dim3A_272, %get3A_254 : vector<1x2048xi1>, vector<1x2048xf32>
      %swap3A_274 = arith.index_cast %reduce_min3A_251 : i32 to index
      %swap3A_275 = arith.constant 0 : index
      %swap3A_276 = vector.load %arg8[%swap3A_274, %swap3A_275] : memref<25x2048xf32, #tpu.memory_space<vmem>>, vector<1x2048xf32>
      tpu.vector_store %arg8[%swap3A_274, %swap3A_275], %select_n3A_273 {strides = array<i32>} : memref<25x2048xf32, #tpu.memory_space<vmem>>, vector<1x2048xf32>,
      %eq3A_277 = vector.broadcast %reduce_min3A_251 : i32 to vector<25x1xi32>
      %eq3A_278 = arith.cmpi eq, %iota3A_51, %eq3A_277 : vector<25x1xi32>
      %reduce_max3A_279 = vector.shape_cast %select_n3A_273 : vector<1x2048xf32> to vector<1x1x2048xf32>
      %reduce_max3A_280 = arith.constant dense<0xFF800000> : vector<1xf32>
      %reduce_max3A_281 = vector.multi_reduction <maximumf>, %reduce_max3A_279, %reduce_max3A_280 [1, 2] : vector<1x1x2048xf32> to vector<1xf32>
      %reduce_max3A_282 = vector.shape_cast %reduce_max3A_281 : vector<1xf32> to vector<1x1x1xf32>
      %reduce_max3A_283 = vector.extract %reduce_max3A_282[0, 0, 0] : f32 from vector<1x1x1xf32>
      %broadcast_in_dim3A_284 = vector.broadcast %reduce_max3A_283 : f32 to vector<25x1xf32>
      %select_n3A_285 = arith.select %eq3A_278, %broadcast_in_dim3A_284, %scan3A_112 : vector<25x1xi1>, vector<25x1xf32>
      %eq3A_286 = arith.constant 2 : i32
      %eq3A_287 = vector.broadcast %eq3A_286 : i32 to vector<4x1xi32>
      %eq3A_288 = arith.cmpi eq, %iota3A_50, %eq3A_287 : vector<4x1xi32>
      %broadcast_in_dim3A_289 = vector.broadcast %reduce_min3A_268 : i32 to vector<4x1xi32>
      %select_n3A_290 = arith.select %eq3A_288, %broadcast_in_dim3A_289, %select_n3A_231 : vector<4x1xi1>, vector<4x1xi32>
      %eq3A_291 = arith.constant 2 : i32
      %eq3A_292 = vector.broadcast %eq3A_291 : i32 to vector<4x1xi32>
      %eq3A_293 = arith.cmpi eq, %iota3A_50, %eq3A_292 : vector<4x1xi32>
      %broadcast_in_dim3A_294 = vector.broadcast %reduce_max3A_241 : f32 to vector<4x1xf32>
      %select_n3A_295 = arith.select %eq3A_293, %broadcast_in_dim3A_294, %select_n3A_236 : vector<4x1xi1>, vector<4x1xf32>
      %reduce_max3A_296 = vector.shape_cast %scan3A_113 : vector<25x1xf32> to vector<1x25x1xf32>
      %reduce_max3A_297 = arith.constant dense<0xFF800000> : vector<1xf32>
      %reduce_max3A_298 = vector.multi_reduction <maximumf>, %reduce_max3A_296, %reduce_max3A_297 [1, 2] : vector<1x25x1xf32> to vector<1xf32>
      %reduce_max3A_299 = vector.shape_cast %reduce_max3A_298 : vector<1xf32> to vector<1x1x1xf32>
      %reduce_max3A_300 = vector.extract %reduce_max3A_299[0, 0, 0] : f32 from vector<1x1x1xf32>
      %eq3A_301 = vector.broadcast %reduce_max3A_300 : f32 to vector<25x1xf32>
      %eq3A_302 = arith.cmpf oeq, %scan3A_113, %eq3A_301 : vector<25x1xf32>
      %jit3A_303 = arith.constant 1073741824 : i32
      %broadcast_in_dim3A_304 = vector.broadcast %jit3A_303 : i32 to vector<25x1xi32>
      %select_n3A_305 = arith.select %eq3A_302, %iota3A_51, %broadcast_in_dim3A_304 : vector<25x1xi1>, vector<25x1xi32>
      %reduce_min3A_306 = vector.shape_cast %select_n3A_305 : vector<25x1xi32> to vector<1x25x1xi32>
      %reduce_min3A_307 = arith.constant dense<2147483647> : vector<1xi32>
      %reduce_min3A_308 = vector.multi_reduction <minsi>, %reduce_min3A_306, %reduce_min3A_307 [1, 2] : vector<1x25x1xi32> to vector<1xi32>
      %reduce_min3A_309 = vector.shape_cast %reduce_min3A_308 : vector<1xi32> to vector<1x1x1xi32>
      %reduce_min3A_310 = vector.extract %reduce_min3A_309[0, 0, 0] : i32 from vector<1x1x1xi32>
      %get3A_311 = arith.index_cast %reduce_min3A_310 : i32 to index
      %get3A_312 = arith.constant 0 : index
      %get3A_313 = vector.load %arg9[%get3A_311, %get3A_312] : memref<25x2048xf32, #tpu.memory_space<vmem>>, vector<1x2048xf32>
      %mul3A_314 = arith.constant 2048 : i32
      %mul3A_315 = arith.muli %reduce_min3A_310, %mul3A_314 : i32
      %add3A_316 = vector.broadcast %mul3A_315 : i32 to vector<1x2048xi32>
      %add3A_317 = arith.addi %add3A_316, %iota3A_48 : vector<1x2048xi32>
      %eq3A_318 = vector.broadcast %reduce_max3A_300 : f32 to vector<1x2048xf32>
      %eq3A_319 = arith.cmpf oeq, %get3A_313, %eq3A_318 : vector<1x2048xf32>
      %jit3A_320 = arith.constant 1073741824 : i32
      %broadcast_in_dim3A_321 = vector.broadcast %jit3A_320 : i32 to vector<1x2048xi32>
      %select_n3A_322 = arith.select %eq3A_319, %add3A_317, %broadcast_in_dim3A_321 : vector<1x2048xi1>, vector<1x2048xi32>
      %reduce_min3A_323 = vector.shape_cast %select_n3A_322 : vector<1x2048xi32> to vector<1x1x2048xi32>
      %reduce_min3A_324 = arith.constant dense<2147483647> : vector<1xi32>
      %reduce_min3A_325 = vector.multi_reduction <minsi>, %reduce_min3A_323, %reduce_min3A_324 [1, 2] : vector<1x1x2048xi32> to vector<1xi32>
      %reduce_min3A_326 = vector.shape_cast %reduce_min3A_325 : vector<1xi32> to vector<1x1x1xi32>
      %reduce_min3A_327 = vector.extract %reduce_min3A_326[0, 0, 0] : i32 from vector<1x1x1xi32>
      %eq3A_328 = vector.broadcast %reduce_min3A_327 : i32 to vector<1x2048xi32>
      %eq3A_329 = arith.cmpi eq, %add3A_317, %eq3A_328 : vector<1x2048xi32>
      %jit3A_330 = arith.constant -1.000000e+30 : f32
      %broadcast_in_dim3A_331 = vector.broadcast %jit3A_330 : f32 to vector<1x2048xf32>
      %select_n3A_332 = arith.select %eq3A_329, %broadcast_in_dim3A_331, %get3A_313 : vector<1x2048xi1>, vector<1x2048xf32>
      %swap3A_333 = arith.index_cast %reduce_min3A_310 : i32 to index
      %swap3A_334 = arith.constant 0 : index
      %swap3A_335 = vector.load %arg9[%swap3A_333, %swap3A_334] : memref<25x2048xf32, #tpu.memory_space<vmem>>, vector<1x2048xf32>
      tpu.vector_store %arg9[%swap3A_333, %swap3A_334], %select_n3A_332 {strides = array<i32>} : memref<25x2048xf32, #tpu.memory_space<vmem>>, vector<1x2048xf32>,
      %eq3A_336 = vector.broadcast %reduce_min3A_310 : i32 to vector<25x1xi32>
      %eq3A_337 = arith.cmpi eq, %iota3A_51, %eq3A_336 : vector<25x1xi32>
      %reduce_max3A_338 = vector.shape_cast %select_n3A_332 : vector<1x2048xf32> to vector<1x1x2048xf32>
      %reduce_max3A_339 = arith.constant dense<0xFF800000> : vector<1xf32>
      %reduce_max3A_340 = vector.multi_reduction <maximumf>, %reduce_max3A_338, %reduce_max3A_339 [1, 2] : vector<1x1x2048xf32> to vector<1xf32>
      %reduce_max3A_341 = vector.shape_cast %reduce_max3A_340 : vector<1xf32> to vector<1x1x1xf32>
      %reduce_max3A_342 = vector.extract %reduce_max3A_341[0, 0, 0] : f32 from vector<1x1x1xf32>
      %broadcast_in_dim3A_343 = vector.broadcast %reduce_max3A_342 : f32 to vector<25x1xf32>
      %select_n3A_344 = arith.select %eq3A_337, %broadcast_in_dim3A_343, %scan3A_113 : vector<25x1xi1>, vector<25x1xf32>
      %eq3A_345 = arith.constant 3 : i32
      %eq3A_346 = vector.broadcast %eq3A_345 : i32 to vector<4x1xi32>
      %eq3A_347 = arith.cmpi eq, %iota3A_50, %eq3A_346 : vector<4x1xi32>
      %broadcast_in_dim3A_348 = vector.broadcast %reduce_min3A_327 : i32 to vector<4x1xi32>
      %select_n3A_349 = arith.select %eq3A_347, %broadcast_in_dim3A_348, %select_n3A_290 : vector<4x1xi1>, vector<4x1xi32>
      %eq3A_350 = arith.constant 3 : i32
      %eq3A_351 = vector.broadcast %eq3A_350 : i32 to vector<4x1xi32>
      %eq3A_352 = arith.cmpi eq, %iota3A_50, %eq3A_351 : vector<4x1xi32>
      %broadcast_in_dim3A_353 = vector.broadcast %reduce_max3A_300 : f32 to vector<4x1xf32>
      %select_n3A_354 = arith.select %eq3A_352, %broadcast_in_dim3A_353, %select_n3A_295 : vector<4x1xi1>, vector<4x1xf32>
      %eq3A_355 = vector.broadcast %scan3A_109 : i32 to vector<1x128xi32>
      %eq3A_356 = arith.cmpi eq, %iota3A_49, %eq3A_355 : vector<1x128xi32>
      %broadcast_in_dim3A_357 = vector.shape_cast %eq3A_356 : vector<1x128xi1> to vector<1x128xi1>
      %broadcast_in_dim3A_358 = vector.broadcast %broadcast_in_dim3A_357 : vector<1x128xi1> to vector<4x128xi1>
      %broadcast_in_dim3A_359 = vector.shape_cast %select_n3A_349 : vector<4x1xi32> to vector<4x1xi32>
      %broadcast_in_dim3A_360 = vector.broadcast %broadcast_in_dim3A_359 : vector<4x1xi32> to vector<4x128xi32>
      %select_n3A_361 = arith.select %broadcast_in_dim3A_358, %broadcast_in_dim3A_360, %scan3A_114 : vector<4x128xi1>, vector<4x128xi32>
      %eq3A_362 = vector.broadcast %scan3A_109 : i32 to vector<1x128xi32>
      %eq3A_363 = arith.cmpi eq, %iota3A_49, %eq3A_362 : vector<1x128xi32>
      %tanh3A = math.tanh %select_n3A_354 : vector<4x1xf32>
      %broadcast_in_dim3A_364 = vector.shape_cast %eq3A_363 : vector<1x128xi1> to vector<1x128xi1>
      %broadcast_in_dim3A_365 = vector.broadcast %broadcast_in_dim3A_364 : vector<1x128xi1> to vector<4x128xi1>
      %broadcast_in_dim3A_366 = vector.shape_cast %tanh3A : vector<4x1xf32> to vector<4x1xf32>
      %broadcast_in_dim3A_367 = vector.broadcast %broadcast_in_dim3A_366 : vector<4x1xf32> to vector<4x128xf32>
      %select_n3A_368 = arith.select %broadcast_in_dim3A_365, %broadcast_in_dim3A_367, %scan3A_115 : vector<4x128xi1>, vector<4x128xf32>
      %add3A_369 = arith.addf %scan3A_116, %select_n3A_354 : vector<4x1xf32>
      scf.yield %select_n3A_167, %select_n3A_226, %select_n3A_285, %select_n3A_344, %select_n3A_361, %select_n3A_368, %add3A_369 : vector<25x1xf32>, vector<25x1xf32>, vector<25x1xf32>, vector<25x1xf32>, vector<4x128xi32>, vector<4x128xf32>, vector<4x1xf32>
    }
    %scan3A_82 = arith.constant 128 : i32
    %swap3A_83 = arith.constant 0 : index
    %swap3A_84 = arith.constant 0 : index
    %swap3A_85 = vector.load %arg1[%swap3A_83, %swap3A_84] : memref<4x128xi32, #tpu.memory_space<vmem>>, vector<4x128xi32>
    tpu.vector_store %arg1[%swap3A_83, %swap3A_84], %scan3A_81#4 {strides = array<i32>} : memref<4x128xi32, #tpu.memory_space<vmem>>, vector<4x128xi32>,
    %mul3A_86 = arith.constant 50000 : i32
    %mul3A_87 = vector.broadcast %mul3A_86 : i32 to vector<4x1xi32>
    %mul3A_88 = arith.muli %iota3A_50, %mul3A_87 : vector<4x1xi32>
    %add3A_89 = vector.broadcast %mul3A_88 : vector<4x1xi32> to vector<4x128xi32>
    %add3A_90 = arith.addi %scan3A_81#4, %add3A_89 : vector<4x128xi32>
    %swap3A_91 = arith.constant 0 : index
    %swap3A_92 = arith.constant 0 : index
    %swap3A_93 = vector.load %arg2[%swap3A_91, %swap3A_92] : memref<4x128xi32, #tpu.memory_space<vmem>>, vector<4x128xi32>
    tpu.vector_store %arg2[%swap3A_91, %swap3A_92], %add3A_90 {strides = array<i32>} : memref<4x128xi32, #tpu.memory_space<vmem>>, vector<4x128xi32>,
    %swap3A_94 = arith.constant 0 : index
    %swap3A_95 = arith.constant 0 : index
    %swap3A_96 = vector.load %arg3[%swap3A_94, %swap3A_95] : memref<4x128xf32, #tpu.memory_space<vmem>>, vector<4x128xf32>
    tpu.vector_store %arg3[%swap3A_94, %swap3A_95], %scan3A_81#5 {strides = array<i32>} : memref<4x128xf32, #tpu.memory_space<vmem>>, vector<4x128xf32>,
    %div3A_97 = arith.constant 1.280000e+02 : f32
    %div3A_98 = vector.broadcast %div3A_97 : f32 to vector<4x1xf32>
    %div3A_99 = arith.divf %scan3A_81#6, %div3A_98 : vector<4x1xf32>
    %squeeze3A_100 = vector.shape_cast %broadcast_in_dim3A_11 : vector<4x1x1xf32> to vector<4x1xf32>
    %sub3A_101 = arith.subf %div3A_99, %squeeze3A_100 : vector<4x1xf32>
    %squeeze3A_102 = vector.shape_cast %log3A : vector<4x1x1xf32> to vector<4x1xf32>
    %sub3A_103 = arith.subf %sub3A_101, %squeeze3A_102 : vector<4x1xf32>
    %broadcast_in_dim3A_104 = vector.shape_cast %sub3A_103 : vector<4x1xf32> to vector<4x1xf32>
    %broadcast_in_dim3A_105 = vector.broadcast %broadcast_in_dim3A_104 : vector<4x1xf32> to vector<4x128xf32>
    %swap3A_106 = arith.constant 0 : index
    %swap3A_107 = arith.constant 0 : index
    %swap3A_108 = vector.load %arg5[%swap3A_106, %swap3A_107] : memref<4x128xf32, #tpu.memory_space<vmem>>, vector<4x128xf32>
    tpu.vector_store %arg5[%swap3A_106, %swap3A_107], %broadcast_in_dim3A_105 {strides = array<i32>} : memref<4x128xf32, #tpu.memory_space<vmem>>, vector<4x128xf32>,
    return
  }
}

module attributes {stable_mosaic.version = 14 : i64} {
  func.func @_score_body(%arg0: i32, %arg1: i32, %arg2: memref<1x2048x256xf32, #tpu.memory_space<vmem>>, %arg3: memref<1x1x256xf32, #tpu.memory_space<vmem>>, %arg4: memref<1x1x128xf32, #tpu.memory_space<vmem>>, %arg5: memref<1x1x1x2048xf32, #tpu.memory_space<vmem>>) attributes {dimension_semantics = [#tpu.dimension_semantics<parallel>, #tpu.dimension_semantics<arbitrary>], iteration_bounds = array<i64: 4, 25>, scalar_prefetch = 0 : i64, scratch_operands = 0 : i64, tpu.core_type = #tpu.core_type<tc>, window_params = [{transform_indices = @transform_0, window_bounds = array<i64: 1, 2048, 256>}, {transform_indices = @transform_1, window_bounds = array<i64: 1, 1, 256>}, {transform_indices = @transform_2, window_bounds = array<i64: 1, 1, 128>}, {transform_indices = @transform_3, window_bounds = array<i64: 1, 1, 1, 2048>}]} {
    %get3A = arith.constant 0 : index
    %get3A_0 = arith.constant 0 : index
    %get3A_1 = arith.constant 0 : index
    %get3A_2 = vector.load %arg2[%get3A, %get3A_0, %get3A_1] : memref<1x2048x256xf32, #tpu.memory_space<vmem>>, vector<1x2048x256xf32>
    %get3A_3 = vector.shape_cast %get3A_2 : vector<1x2048x256xf32> to vector<2048x256xf32>
    %get3A_4 = arith.constant 0 : index
    %get3A_5 = arith.constant 0 : index
    %get3A_6 = arith.constant 0 : index
    %get3A_7 = vector.load %arg3[%get3A_4, %get3A_5, %get3A_6] : memref<1x1x256xf32, #tpu.memory_space<vmem>>, vector<1x1x256xf32>
    %get3A_8 = vector.shape_cast %get3A_7 : vector<1x1x256xf32> to vector<1x256xf32>
    %convert_element_type3A = arith.truncf %get3A_8 : vector<1x256xf32> to vector<1x256xbf16>
    %convert_element_type3A_9 = arith.truncf %get3A_3 : vector<2048x256xf32> to vector<2048x256xbf16>
    %dot_general3A = arith.constant dense<0.000000e+00> : vector<1x2048xf32>
    %dot_general3A_10 = tpu.matmul %convert_element_type3A, %convert_element_type3A_9, %dot_general3A {dimension_numbers = #tpu.dot_dimension_numbers<[1], [1], [0], [0], [0, 0, 1, 0], [], []>, transpose_lhs_hint = false} : vector<1x256xbf16>, vector<2048x256xbf16>, vector<1x2048xf32> -> vector<1x2048xf32>
    %get3A_11 = arith.constant 0 : index
    %get3A_12 = arith.constant 0 : index
    %get3A_13 = arith.constant 0 : index
    %get3A_14 = vector.load %arg4[%get3A_11, %get3A_12, %get3A_13] : memref<1x1x128xf32, #tpu.memory_space<vmem>>, vector<1x1x1xf32>
    %get3A_15 = vector.extract %get3A_14[0, 0, 0] : f32 from vector<1x1x1xf32>
    %mul3A = vector.broadcast %get3A_15 : f32 to vector<1x2048xf32>
    %mul3A_16 = arith.mulf %dot_general3A_10, %mul3A : vector<1x2048xf32>
    %reshape3A = vector.shape_cast %mul3A_16 : vector<1x2048xf32> to vector<1x1x1x2048xf32>
    %swap3A = arith.constant 0 : index
    %swap3A_17 = arith.constant 0 : index
    %swap3A_18 = arith.constant 0 : index
    %swap3A_19 = arith.constant 0 : index
    %swap3A_20 = vector.load %arg5[%swap3A, %swap3A_17, %swap3A_18, %swap3A_19] : memref<1x1x1x2048xf32, #tpu.memory_space<vmem>>, vector<1x1x1x2048xf32>
    tpu.vector_store %arg5[%swap3A, %swap3A_17, %swap3A_18, %swap3A_19], %reshape3A {strides = array<i32>} : memref<1x1x1x2048xf32, #tpu.memory_space<vmem>>, vector<1x1x1x2048xf32>,
    return
  }
  func.func @transform_0(%arg0: i32, %arg1: i32) -> (i32, i32, i32) {
    %c0_i32 = arith.constant 0 : i32
    %c0_i32_0 = arith.constant 0 : i32
    return %arg0, %arg1, %c0_i32 : i32, i32, i32
  }
  func.func @transform_1(%arg0: i32, %arg1: i32) -> (i32, i32, i32) {
    %c0_i32 = arith.constant 0 : i32
    %c0_i32_0 = arith.constant 0 : i32
    %c0_i32_1 = arith.constant 0 : i32
    return %arg0, %c0_i32, %c0_i32_0 : i32, i32, i32
  }
  func.func @transform_2(%arg0: i32, %arg1: i32) -> (i32, i32, i32) {
    %c0_i32 = arith.constant 0 : i32
    %c0_i32_0 = arith.constant 0 : i32
    %c0_i32_1 = arith.constant 0 : i32
    return %arg0, %c0_i32, %c0_i32_0 : i32, i32, i32
  }
  func.func @transform_3(%arg0: i32, %arg1: i32) -> (i32, i32, i32, i32) {
    %c0_i32 = arith.constant 0 : i32
    %c0_i32_0 = arith.constant 0 : i32
    %c0_i32_1 = arith.constant 0 : i32
    return %arg0, %arg1, %c0_i32, %c0_i32_0 : i32, i32, i32, i32
  }
}

module attributes {stable_mosaic.version = 14 : i64} {
  func.func @_gru_body(%arg0: i32, %arg1: memref<1x128x128xf32, #tpu.memory_space<vmem>>, %arg2: memref<1x128x1xf32, #tpu.memory_space<vmem>>, %arg3: memref<1x128x128xf32, #tpu.memory_space<vmem>>, %arg4: memref<128x128xf32, #tpu.memory_space<vmem>>, %arg5: memref<128x128xf32, #tpu.memory_space<vmem>>, %arg6: memref<128x128xf32, #tpu.memory_space<vmem>>, %arg7: memref<128x128xf32, #tpu.memory_space<vmem>>, %arg8: memref<128x128xf32, #tpu.memory_space<vmem>>, %arg9: memref<128x128xf32, #tpu.memory_space<vmem>>, %arg10: memref<128x128xf32, #tpu.memory_space<vmem>>, %arg11: memref<128x128xf32, #tpu.memory_space<vmem>>, %arg12: memref<128x128xf32, #tpu.memory_space<vmem>>, %arg13: memref<1x128x128xf32, #tpu.memory_space<vmem>>) attributes {dimension_semantics = [#tpu.dimension_semantics<arbitrary>], iteration_bounds = array<i64: 4>, scalar_prefetch = 0 : i64, scratch_operands = 0 : i64, tpu.core_type = #tpu.core_type<tc>, window_params = [{transform_indices = @transform_0, window_bounds = array<i64: 1, 128, 128>}, {transform_indices = @transform_1, window_bounds = array<i64: 1, 128, 1>}, {transform_indices = @transform_2, window_bounds = array<i64: 1, 128, 128>}, {pipeline_mode = #tpu.pipeline_mode<synchronous>, transform_indices = @transform_3, window_bounds = array<i64: 128, 128>}, {pipeline_mode = #tpu.pipeline_mode<synchronous>, transform_indices = @transform_4, window_bounds = array<i64: 128, 128>}, {pipeline_mode = #tpu.pipeline_mode<synchronous>, transform_indices = @transform_5, window_bounds = array<i64: 128, 128>}, {pipeline_mode = #tpu.pipeline_mode<synchronous>, transform_indices = @transform_6, window_bounds = array<i64: 128, 128>}, {pipeline_mode = #tpu.pipeline_mode<synchronous>, transform_indices = @transform_7, window_bounds = array<i64: 128, 128>}, {pipeline_mode = #tpu.pipeline_mode<synchronous>, transform_indices = @transform_8, window_bounds = array<i64: 128, 128>}, {pipeline_mode = #tpu.pipeline_mode<synchronous>, transform_indices = @transform_9, window_bounds = array<i64: 128, 128>}, {pipeline_mode = #tpu.pipeline_mode<synchronous>, transform_indices = @transform_10, window_bounds = array<i64: 128, 128>}, {pipeline_mode = #tpu.pipeline_mode<synchronous>, transform_indices = @transform_11, window_bounds = array<i64: 128, 128>}, {transform_indices = @transform_12, window_bounds = array<i64: 1, 128, 128>}]} {
    %get3A = arith.constant 0 : index
    %get3A_0 = arith.constant 0 : index
    %get3A_1 = arith.constant 0 : index
    %get3A_2 = vector.load %arg1[%get3A, %get3A_0, %get3A_1] : memref<1x128x128xf32, #tpu.memory_space<vmem>>, vector<1x128x128xf32>
    %get3A_3 = vector.shape_cast %get3A_2 : vector<1x128x128xf32> to vector<128x128xf32>
    %get3A_4 = arith.constant 0 : index
    %get3A_5 = arith.constant 0 : index
    %get3A_6 = arith.constant 0 : index
    %get3A_7 = vector.load %arg2[%get3A_4, %get3A_5, %get3A_6] : memref<1x128x1xf32, #tpu.memory_space<vmem>>, vector<1x128x1xf32>
    %get3A_8 = vector.shape_cast %get3A_7 : vector<1x128x1xf32> to vector<128x1xf32>
    %get3A_9 = arith.constant 0 : index
    %get3A_10 = arith.constant 0 : index
    %get3A_11 = arith.constant 0 : index
    %get3A_12 = vector.load %arg3[%get3A_9, %get3A_10, %get3A_11] : memref<1x128x128xf32, #tpu.memory_space<vmem>>, vector<1x128x128xf32>
    %get3A_13 = vector.shape_cast %get3A_12 : vector<1x128x128xf32> to vector<128x128xf32>
    %mul3A = vector.broadcast %get3A_8 : vector<128x1xf32> to vector<128x128xf32>
    %mul3A_14 = arith.mulf %get3A_3, %mul3A : vector<128x128xf32>
    %convert_element_type3A = arith.truncf %mul3A_14 : vector<128x128xf32> to vector<128x128xbf16>
    %get3A_15 = arith.constant 0 : index
    %get3A_16 = arith.constant 0 : index
    %get3A_17 = vector.load %arg4[%get3A_15, %get3A_16] : memref<128x128xf32, #tpu.memory_space<vmem>>, vector<128x128xf32>
    %convert_element_type3A_18 = arith.truncf %get3A_17 : vector<128x128xf32> to vector<128x128xbf16>
    %dot_general3A = arith.constant dense<0.000000e+00> : vector<128x128xf32>
    %dot_general3A_19 = tpu.matmul %convert_element_type3A_18, %convert_element_type3A, %dot_general3A {dimension_numbers = #tpu.dot_dimension_numbers<[1], [1], [0], [0], [0, 0, 1, 0], [], []>, transpose_lhs_hint = false} : vector<128x128xbf16>, vector<128x128xbf16>, vector<128x128xf32> -> vector<128x128xf32>
    %get3A_20 = arith.constant 0 : index
    %get3A_21 = arith.constant 0 : index
    %get3A_22 = vector.load %arg5[%get3A_20, %get3A_21] : memref<128x128xf32, #tpu.memory_space<vmem>>, vector<128x128xf32>
    %convert_element_type3A_23 = arith.truncf %get3A_22 : vector<128x128xf32> to vector<128x128xbf16>
    %convert_element_type3A_24 = arith.truncf %get3A_13 : vector<128x128xf32> to vector<128x128xbf16>
    %dot_general3A_25 = arith.constant dense<0.000000e+00> : vector<128x128xf32>
    %dot_general3A_26 = tpu.matmul %convert_element_type3A_23, %convert_element_type3A_24, %dot_general3A_25 {dimension_numbers = #tpu.dot_dimension_numbers<[1], [0], [0], [1], [0, 0, 1, 1], [], []>, transpose_lhs_hint = false} : vector<128x128xbf16>, vector<128x128xbf16>, vector<128x128xf32> -> vector<128x128xf32>
    %add3A = arith.addf %dot_general3A_19, %dot_general3A_26 : vector<128x128xf32>
    %get3A_27 = arith.constant 0 : index
    %get3A_28 = arith.constant 0 : index
    %get3A_29 = vector.load %arg6[%get3A_27, %get3A_28] : memref<128x128xf32, #tpu.memory_space<vmem>>, vector<128x128xf32>
    %add3A_30 = arith.addf %add3A, %get3A_29 : vector<128x128xf32>
    %logistic3A = arith.negf %add3A_30 : vector<128x128xf32>
    %logistic3A_31 = math.exp %logistic3A : vector<128x128xf32>
    %logistic3A_32 = arith.constant 1.000000e+00 : f32
    %logistic3A_33 = vector.broadcast %logistic3A_32 : f32 to vector<128x128xf32>
    %logistic3A_34 = arith.addf %logistic3A_33, %logistic3A_31 : vector<128x128xf32>
    %logistic3A_35 = arith.divf %logistic3A_33, %logistic3A_34 : vector<128x128xf32>
    %get3A_36 = arith.constant 0 : index
    %get3A_37 = arith.constant 0 : index
    %get3A_38 = vector.load %arg7[%get3A_36, %get3A_37] : memref<128x128xf32, #tpu.memory_space<vmem>>, vector<128x128xf32>
    %convert_element_type3A_39 = arith.truncf %get3A_38 : vector<128x128xf32> to vector<128x128xbf16>
    %dot_general3A_40 = arith.constant dense<0.000000e+00> : vector<128x128xf32>
    %dot_general3A_41 = tpu.matmul %convert_element_type3A_39, %convert_element_type3A, %dot_general3A_40 {dimension_numbers = #tpu.dot_dimension_numbers<[1], [1], [0], [0], [0, 0, 1, 0], [], []>, transpose_lhs_hint = false} : vector<128x128xbf16>, vector<128x128xbf16>, vector<128x128xf32> -> vector<128x128xf32>
    %get3A_42 = arith.constant 0 : index
    %get3A_43 = arith.constant 0 : index
    %get3A_44 = vector.load %arg8[%get3A_42, %get3A_43] : memref<128x128xf32, #tpu.memory_space<vmem>>, vector<128x128xf32>
    %convert_element_type3A_45 = arith.truncf %get3A_44 : vector<128x128xf32> to vector<128x128xbf16>
    %convert_element_type3A_46 = arith.truncf %get3A_13 : vector<128x128xf32> to vector<128x128xbf16>
    %dot_general3A_47 = arith.constant dense<0.000000e+00> : vector<128x128xf32>
    %dot_general3A_48 = tpu.matmul %convert_element_type3A_45, %convert_element_type3A_46, %dot_general3A_47 {dimension_numbers = #tpu.dot_dimension_numbers<[1], [0], [0], [1], [0, 0, 1, 1], [], []>, transpose_lhs_hint = false} : vector<128x128xbf16>, vector<128x128xbf16>, vector<128x128xf32> -> vector<128x128xf32>
    %add3A_49 = arith.addf %dot_general3A_41, %dot_general3A_48 : vector<128x128xf32>
    %get3A_50 = arith.constant 0 : index
    %get3A_51 = arith.constant 0 : index
    %get3A_52 = vector.load %arg9[%get3A_50, %get3A_51] : memref<128x128xf32, #tpu.memory_space<vmem>>, vector<128x128xf32>
    %add3A_53 = arith.addf %add3A_49, %get3A_52 : vector<128x128xf32>
    %logistic3A_54 = arith.negf %add3A_53 : vector<128x128xf32>
    %logistic3A_55 = math.exp %logistic3A_54 : vector<128x128xf32>
    %logistic3A_56 = arith.constant 1.000000e+00 : f32
    %logistic3A_57 = vector.broadcast %logistic3A_56 : f32 to vector<128x128xf32>
    %logistic3A_58 = arith.addf %logistic3A_57, %logistic3A_55 : vector<128x128xf32>
    %logistic3A_59 = arith.divf %logistic3A_57, %logistic3A_58 : vector<128x128xf32>
    %get3A_60 = arith.constant 0 : index
    %get3A_61 = arith.constant 0 : index
    %get3A_62 = vector.load %arg10[%get3A_60, %get3A_61] : memref<128x128xf32, #tpu.memory_space<vmem>>, vector<128x128xf32>
    %convert_element_type3A_63 = arith.truncf %get3A_62 : vector<128x128xf32> to vector<128x128xbf16>
    %dot_general3A_64 = arith.constant dense<0.000000e+00> : vector<128x128xf32>
    %dot_general3A_65 = tpu.matmul %convert_element_type3A_63, %convert_element_type3A, %dot_general3A_64 {dimension_numbers = #tpu.dot_dimension_numbers<[1], [1], [0], [0], [0, 0, 1, 0], [], []>, transpose_lhs_hint = false} : vector<128x128xbf16>, vector<128x128xbf16>, vector<128x128xf32> -> vector<128x128xf32>
    %get3A_66 = arith.constant 0 : index
    %get3A_67 = arith.constant 0 : index
    %get3A_68 = vector.load %arg11[%get3A_66, %get3A_67] : memref<128x128xf32, #tpu.memory_space<vmem>>, vector<128x128xf32>
    %mul3A_69 = arith.mulf %logistic3A_59, %get3A_13 : vector<128x128xf32>
    %convert_element_type3A_70 = arith.truncf %get3A_68 : vector<128x128xf32> to vector<128x128xbf16>
    %convert_element_type3A_71 = arith.truncf %mul3A_69 : vector<128x128xf32> to vector<128x128xbf16>
    %dot_general3A_72 = arith.constant dense<0.000000e+00> : vector<128x128xf32>
    %dot_general3A_73 = tpu.matmul %convert_element_type3A_70, %convert_element_type3A_71, %dot_general3A_72 {dimension_numbers = #tpu.dot_dimension_numbers<[1], [0], [0], [1], [0, 0, 1, 1], [], []>, transpose_lhs_hint = false} : vector<128x128xbf16>, vector<128x128xbf16>, vector<128x128xf32> -> vector<128x128xf32>
    %add3A_74 = arith.addf %dot_general3A_65, %dot_general3A_73 : vector<128x128xf32>
    %get3A_75 = arith.constant 0 : index
    %get3A_76 = arith.constant 0 : index
    %get3A_77 = vector.load %arg12[%get3A_75, %get3A_76] : memref<128x128xf32, #tpu.memory_space<vmem>>, vector<128x128xf32>
    %add3A_78 = arith.addf %add3A_74, %get3A_77 : vector<128x128xf32>
    %tanh3A = math.tanh %add3A_78 : vector<128x128xf32>
    %sub3A = arith.constant 1.000000e+00 : f32
    %sub3A_79 = vector.broadcast %sub3A : f32 to vector<128x128xf32>
    %sub3A_80 = arith.subf %sub3A_79, %logistic3A_35 : vector<128x128xf32>
    %mul3A_81 = arith.mulf %sub3A_80, %get3A_13 : vector<128x128xf32>
    %mul3A_82 = arith.mulf %logistic3A_35, %tanh3A : vector<128x128xf32>
    %add3A_83 = arith.addf %mul3A_81, %mul3A_82 : vector<128x128xf32>
    %swap3A = arith.constant 0 : index
    %swap3A_84 = arith.constant 0 : index
    %swap3A_85 = arith.constant 0 : index
    %swap3A_86 = vector.load %arg13[%swap3A, %swap3A_84, %swap3A_85] : memref<1x128x128xf32, #tpu.memory_space<vmem>>, vector<1x128x128xf32>
    %swap3A_87 = vector.shape_cast %swap3A_86 : vector<1x128x128xf32> to vector<128x128xf32>
    %swap3A_88 = vector.shape_cast %add3A_83 : vector<128x128xf32> to vector<1x128x128xf32>
    tpu.vector_store %arg13[%swap3A, %swap3A_84, %swap3A_85], %swap3A_88 {strides = array<i32>} : memref<1x128x128xf32, #tpu.memory_space<vmem>>, vector<1x128x128xf32>,
    return
  }
  func.func @transform_0(%arg0: i32) -> (i32, i32, i32) {
    %c0_i32 = arith.constant 0 : i32
    %c0_i32_0 = arith.constant 0 : i32
    %c0_i32_1 = arith.constant 0 : i32
    return %arg0, %c0_i32, %c0_i32_0 : i32, i32, i32
  }
  func.func @transform_1(%arg0: i32) -> (i32, i32, i32) {
    %c0_i32 = arith.constant 0 : i32
    %c0_i32_0 = arith.constant 0 : i32
    %c0_i32_1 = arith.constant 0 : i32
    return %arg0, %c0_i32, %c0_i32_0 : i32, i32, i32
  }
  func.func @transform_2(%arg0: i32) -> (i32, i32, i32) {
    %c0_i32 = arith.constant 0 : i32
    %c0_i32_0 = arith.constant 0 : i32
    %c0_i32_1 = arith.constant 0 : i32
    return %arg0, %c0_i32, %c0_i32_0 : i32, i32, i32
  }
  func.func @transform_3(%arg0: i32) -> (i32, i32) {
    %c0_i32 = arith.constant 0 : i32
    %c0_i32_0 = arith.constant 0 : i32
    %c0_i32_1 = arith.constant 0 : i32
    return %c0_i32, %c0_i32_0 : i32, i32
  }
  func.func @transform_4(%arg0: i32) -> (i32, i32) {
    %c0_i32 = arith.constant 0 : i32
    %c0_i32_0 = arith.constant 0 : i32
    %c0_i32_1 = arith.constant 0 : i32
    return %c0_i32, %c0_i32_0 : i32, i32
  }
  func.func @transform_5(%arg0: i32) -> (i32, i32) {
    %c0_i32 = arith.constant 0 : i32
    %c0_i32_0 = arith.constant 0 : i32
    %c0_i32_1 = arith.constant 0 : i32
    return %c0_i32, %c0_i32_0 : i32, i32
  }
  func.func @transform_6(%arg0: i32) -> (i32, i32) {
    %c0_i32 = arith.constant 0 : i32
    %c0_i32_0 = arith.constant 0 : i32
    %c0_i32_1 = arith.constant 0 : i32
    return %c0_i32, %c0_i32_0 : i32, i32
  }
  func.func @transform_7(%arg0: i32) -> (i32, i32) {
    %c0_i32 = arith.constant 0 : i32
    %c0_i32_0 = arith.constant 0 : i32
    %c0_i32_1 = arith.constant 0 : i32
    return %c0_i32, %c0_i32_0 : i32, i32
  }
  func.func @transform_8(%arg0: i32) -> (i32, i32) {
    %c0_i32 = arith.constant 0 : i32
    %c0_i32_0 = arith.constant 0 : i32
    %c0_i32_1 = arith.constant 0 : i32
    return %c0_i32, %c0_i32_0 : i32, i32
  }
  func.func @transform_9(%arg0: i32) -> (i32, i32) {
    %c0_i32 = arith.constant 0 : i32
    %c0_i32_0 = arith.constant 0 : i32
    %c0_i32_1 = arith.constant 0 : i32
    return %c0_i32, %c0_i32_0 : i32, i32
  }
  func.func @transform_10(%arg0: i32) -> (i32, i32) {
    %c0_i32 = arith.constant 0 : i32
    %c0_i32_0 = arith.constant 0 : i32
    %c0_i32_1 = arith.constant 0 : i32
    return %c0_i32, %c0_i32_0 : i32, i32
  }
  func.func @transform_11(%arg0: i32) -> (i32, i32) {
    %c0_i32 = arith.constant 0 : i32
    %c0_i32_0 = arith.constant 0 : i32
    %c0_i32_1 = arith.constant 0 : i32
    return %c0_i32, %c0_i32_0 : i32, i32
  }
  func.func @transform_12(%arg0: i32) -> (i32, i32, i32) {
    %c0_i32 = arith.constant 0 : i32
    %c0_i32_0 = arith.constant 0 : i32
    %c0_i32_1 = arith.constant 0 : i32
    return %arg0, %c0_i32, %c0_i32_0 : i32, i32, i32
  }
}

</mosaic_0001>

<sc_bundles>
// kernel: kernel.7.cloned.1.call-start
scs
__scs_entry_jumppad:
0x0: {  	(pc) =	sbr.rel $0x88, $3  }
0x1: {  	(tag) =	ssettag $0x0;
	lr =	simm.s32 $0x1  }
0x2: {  	[smem:$0x3F93] =	sst lr;
	_ =	strace $0xD0000000  }
0x3: {  	_ = 	snop  }
0x4: {  	_ = 	snop  }
0x5: {  	_ = 	snop  }
0x6: {  	_ = 	snop  }
0x7: {  	_ = 	snop  }
__scs_overlays_trampoline_lowered:
0x8: {  	[smem:$0x3FA2] =	sst s0  }
0x9: {  	[smem:$0x3FA3] =	sst s1  }
0xa: {  	[smem:$0x3FA4] =	sst s2  }
0xb: {  	[smem:$0x3FA5] =	sst s3  }
0xc: {  	[smem:$0x3FA6] =	sst s4  }
0xd: {  	[smem:$0x3FA7] =	sst s5  }
0xe: {  	[smem:$0x3FA8] =	sst s6  }
0xf: {  	[smem:$0x3FA9] =	sst s7  }
0x10: {  	[smem:$0x3FAA] =	sst s8  }
0x11: {  	[smem:$0x3FAB] =	sst s9;
	s0 =	simm.s32 @!p0 $0x0  }
0x12: {  	s1 =	sld [smem:$0x3F91];
	s0 =	simm.s32 @p0 $0x1  }
0x13: {  	[smem:$0x3FAC] =	sst s0;
	s0 =	simm.s32 @!p1 $0x0  }
0x14: {  	s2 =	sld [smem:$0x3F90];
	s0 =	simm.s32 @p1 $0x1  }
0x15: {  	[smem:$0x3FAD] =	sst s0;
	s0 =	simm.s32 @!p2 $0x0  }
0x16: {  	s3 =	sld [smem:$0x3FDB];
	s0 =	simm.s32 @p2 $0x1  }
0x17: {  	s4 =	simm.s32 $0x1BF5;
	[smem:$0x3FAF] =	sst s0  }
0x18: {  	s0 =	sld [smem:$0x3F92];
	_ =	swait.ge [sflag:s4], $0x0  }
0x19: {  	s7 =	sld [smem:$0x3F93]  }
0x1a: {  	s8 =	sadd.s32 $0xFFFFE003, lr  }
0x1b: {  	s9 =	sadd.s32 $0xFFFFFEF7, lr;
	s5 =	simm.s32 $0xFFFFFFFF;
	p2 =	slt.u32 s8, $0xFFFFF086  }
0x1c: {  	p1 =	slt.u32 s9, $0xF7A;
	s5 =	simm.s32 @!p2 $0x0  }
0x1d: {  	s5 =	simm.s32 @p1 $0x1;
	p0 =	seq.s32 s7, s2  }
0x1e: {  	s7 =	smul.u32 @!p0 $0xF7A, s2;
	p2 =	seq.s32 @!p0 s5, $0x0  }
0x1f: {  	s9 =	smul.u32 $0xF7A, s1;
	s8 =	simm.s32 @!p0 $0x1BF5;
	p2 =	por !p2, p0  }
0x20: {  	[sflag:s8] =	ssyncset.s32 @!p0 $0xFFFFF086;
	s6 =	sadd.s32 @!p0 s3, s7;
	s7 =	simm.s32 @!p0 $0x108  }
0x21: {  	s3 =	sadd.s32 s3, s9;
	s6 =	sadd.s32 @!p0 $0x88, s6;
	s7 =	simm.s32 @p2 $0x1082  }
0x22: {  	[simem:s7], [sflag:s8] =	dma.local @!p0 [hbm:s6], $0xF7A  }
0x23: {  	s9 =	sor.u32 $0xD0000000, s2;
	s6 =	simm.s32 $0x108;
	_ =	swait.ge @!p0 [sflag:s8], $0x0  }
0x24: {  	s3 =	sadd.s32 $0x88, s3;
	s6 =	simm.s32 @!p1 $0x1082;
	[sflag:s4] =	ssyncset.s32 $0xFFFFF086  }
0x25: {  	[simem:s6], [sflag:s4] =	dma.local [hbm:s3], $0xF7A  }
0x26: {  	[smem:$0x3F93] =	sst s1;
	(tag) =	ssettag s2;
	_ =	strace s9  }
0x27: {  	s1 =	sld [smem:$0x3FA3]  }
0x28: {  	s2 =	sld [smem:$0x3FA4]  }
0x29: {  	s4 =	sld [smem:$0x3FA6]  }
0x2a: {  	p0 =	seq.s32 s5, $0x0;
	s5 =	sld [smem:$0x3FA7]  }
0x2b: {  	s6 =	sld [smem:$0x3FA8]  }
0x2c: {  	s7 =	sld [smem:$0x3FA9]  }
0x2d: {  	s3 =	simm.s32 $0x108;
	s8 =	sld [smem:$0x3FAA]  }
0x2e: {  	s3 =	simm.s32 @!p0 $0x1082;
	s9 =	sld [smem:$0x3FAB]  }
0x2f: {  	lr =	sadd.s32 s0, s3;
	s0 =	sld [smem:$0x3FA2]  }
0x30: {  	s3 =	sld [smem:$0x3FA5]  }
0x31: {  	[smem:$0x3FAE] =	sst s10  }
0x32: {  	s10 =	sld [smem:$0x3FAC];
	_ =	sdelay $0x3  }
0x33: {  	p0 =	seq.s32 s10, $0x1;
	s10 =	sld [smem:$0x3FAE];
	_ =	sdelay $0x3  }
0x34: {  	[smem:$0x3FAE] =	sst s10  }
0x35: {  	s10 =	sld [smem:$0x3FAD];
	_ =	sdelay $0x3  }
0x36: {  	p1 =	seq.s32 s10, $0x1;
	s10 =	sld [smem:$0x3FAE];
	_ =	sdelay $0x3  }
0x37: {  	[smem:$0x3FAE] =	sst s10  }
0x38: {  	s10 =	sld [smem:$0x3FAF]  }
0x39: {  	_ = 	snop;
	(pc) =	sbr.ind lr, $3  }
0x3a: {  	_ = 	snop  }
0x3b: {  	_ = 	snop  }
0x3c: {  	p2 =	seq.s32 s10, $0x1;
	s10 =	sld [smem:$0x3FAE]  }
0x3d: {  	_ =	shalt  }
0x3e: {  	_ =	shalt  }
0x3f: {  	_ =	shalt  }
0x40: {  	_ =	shalt  }
0x41: {  	_ =	shalt  }
0x42: {  	_ =	shalt  }
0x43: {  	_ =	shalt  }
0x44: {  	_ =	shalt  }
0x45: {  	_ =	shalt  }
0x46: {  	_ =	shalt  }
0x47: {  	_ =	shalt  }
0x48: {  	_ =	shalt  }
0x49: {  	_ =	shalt  }
0x4a: {  	_ =	shalt  }
0x4b: {  	_ =	shalt  }
0x4c: {  	_ =	shalt  }
0x4d: {  	_ =	shalt  }
0x4e: {  	_ =	shalt  }
0x4f: {  	_ =	shalt  }
0x50: {  	_ =	shalt  }
0x51: {  	_ =	shalt  }
0x52: {  	_ =	shalt  }
0x53: {  	_ =	shalt  }
0x54: {  	_ =	shalt  }
0x55: {  	_ =	shalt  }
0x56: {  	_ =	shalt  }
0x57: {  	_ =	shalt  }
0x58: {  	_ =	shalt  }
0x59: {  	_ =	shalt  }
0x5a: {  	_ =	shalt  }
0x5b: {  	_ =	shalt  }
0x5c: {  	_ =	shalt  }
0x5d: {  	_ =	shalt  }
0x5e: {  	_ =	shalt  }
0x5f: {  	_ =	shalt  }
0x60: {  	_ =	shalt  }
0x61: {  	_ =	shalt  }
0x62: {  	_ =	shalt  }
0x63: {  	_ =	shalt  }
0x64: {  	_ =	shalt  }
0x65: {  	_ =	shalt  }
0x66: {  	_ =	shalt  }
0x67: {  	_ =	shalt  }
0x68: {  	_ =	shalt  }
0x69: {  	_ =	shalt  }
0x6a: {  	_ =	shalt  }
0x6b: {  	_ =	shalt  }
0x6c: {  	_ =	shalt  }
0x6d: {  	_ =	shalt  }
0x6e: {  	_ =	shalt  }
0x6f: {  	_ =	shalt  }
0x70: {  	_ =	shalt  }
0x71: {  	_ =	shalt  }
0x72: {  	_ =	shalt  }
0x73: {  	_ =	shalt  }
0x74: {  	_ =	shalt  }
0x75: {  	_ =	shalt  }
0x76: {  	_ =	shalt  }
0x77: {  	_ =	shalt  }
0x78: {  	_ =	shalt  }
0x79: {  	_ =	shalt  }
0x7a: {  	_ =	shalt  }
0x7b: {  	_ =	shalt  }
0x7c: {  	_ =	shalt  }
0x7d: {  	_ =	shalt  }
0x7e: {  	_ =	shalt  }
0x7f: {  	_ =	shalt  }
0x80: {  	_ =	shalt  }
0x81: {  	_ =	shalt  }
0x82: {  	_ =	shalt  }
0x83: {  	_ =	shalt  }
0x84: {  	_ =	shalt  }
0x85: {  	_ =	shalt  }
0x86: {  	_ =	shalt  }
0x87: {  	_ =	shalt  }
.Lfunc_end0:
.L_simem_size_0:
called_computation_lowered:
.L_overlay_start_0:
0x88: {  	s2 =	sld [smem:$0x3FD9]  }
0x89: {  	s3 =	sld [smem:$0x3FFE];
	_ =	sdelay $0x1  }
0x8a: {  	s1 =	srdreg.scid  }
0x8b: {  	s0 =	sand.u32 $0x1, s1  }
0x8c: {  	s14 =	sshll.u32 s0, $0xA;
	s2 =	sadd.s32 s3, s2  }
0x8d: {  	s2 =	sadd.s32 s2, s14  }
0x8e: {  	[smem:$0x3FBA] =	sst s2  }
0x8f: {  	_ = 	snop  }
0x90: {  	s2 =	sld [smem:$0x3FD0];
	_ =	sdelay $0x2  }
0x91: {  	s4 =	simm.s32 $0xA;
	s5 =	simm.s32 $0x10;
	s15 =	sld [smem:$0x3FC9]  }
0x92: {  	[smem:s5], [sflag:s4] =	dma.local [hbm:s2], $0x1  }
0x93: {  	_ =	swait.eq [sflag:s4], $0x1  }
0x94: {  	[sflag:s4] =	ssyncset.done $0x0  }
0x95: {  	[sflag:s4] =	ssyncadd.s32 $0xFFFFFFFF  }
0x96: {  	s16 =	sld [smem:$0x10];
	(tm) =	ssettm $0x1  }
0x97: {  	s17 =	sld [smem:$0x3FFB];
	_ =	sdelay $0x3  }
0x98: {  	_ =	strace s17  }
0x99: {  	s4 =	sld [smem:$0x3FFC];
	_ =	sdelay $0x3  }
0x9a: {  	_ =	strace s4  }
0x9b: {  	s4 =	sld [smem:$0x3FFD];
	_ =	sdelay $0x3  }
0x9c: {  	_ =	strace s4  }
0x9d: {  	_ =	strace $0x8FFFFFFF  }
0x9e: {  	s18 =	sld [smem:$0x3FDB];
	_ =	sdelay $0x1  }
0x9f: {  	s19 =	simm.s32 $_scs_section_size  }
0xa0: {  	s6 =	simm.s32 $_size__tile_overlayer_lowered;
	s7 =	simm.s32 $_tile_overlayer_lowered  }
0xa1: {  	s22 =	simm.s32 $0x1BFF;
	s21 =	sshll.u32 s7, $0x1;
	s4 =	sadd.s32 s19, s18  }
0xa2: {  	s8 =	simm.s32 $0x0;
	s20 =	sshll.u32 s6, $0x1;
	s6 =	sadd.s32 s21, s4  }
0xa3: {  	[timem:s8], [sflag:s22] =	dma.local [hbm:s6], s20  }
0xa4: {  	_ =	swait.ge [sflag:s22], s20  }
0xa5: {  	s5 =	ssub.s32 $0x0, s20;
	[sflag:s22] =	ssyncset.done $0x0  }
0xa6: {  	[sflag:s22] =	ssyncadd.s32 s5;
	_ =	sdelay $0x1  }
0xa7: {  	s23 =	simm.s32 $0x1B8B  }
0xa8: {  	_ =	swait.ge [sflag:s23], $0x1  }
0xa9: {  	[sflag:s23] =	ssyncset.done $0x0  }
0xaa: {  	s25 =	simm.s32 $0x1B8E;
	s24 =	sld [smem:$0x3FFE];
	[sflag:s23] =	ssyncadd.s32 $0xFFFFFFFF  }
0xab: {  	s26 =	simm.s32 $execute0_lowered;
	[smem:$0x3FD2] =	sst s25  }
0xac: {  	s6 =	sshll.u32 s26, $0x1;
	_ =	strace $0x80000046;
	[dreg:$0x1] =	wrdreg $0xFFFFFFFF  }
0xad: {  	s28 =	simm.s32 $_size_execute0_lowered;
	s4 =	sadd.s32 s4, s6;
	[dreg:$0x0] =	wrdreg $0x0  }
0xae: {  	s6 =	sshll.u32 s28, $0x1;
	[dreg:$0x2] =	wrdreg s4  }
0xaf: {  	[dreg:$0x3] =	wrdreg s6  }
0xb0: {  	[dreg:$0x4] =	wrdreg $0xC0  }
0xb1: {  	_ =	task [dreg:s8], $0x5FFFF  }
0xb2: {  	[dreg:$0x1] =	wrdreg $0xFFFFFFFF  }
0xb3: {  	[dreg:$0x0] =	wrdreg $0x60  }
0xb4: {  	[dreg:$0x2] =	wrdreg s15  }
0xb5: {  	[dreg:$0x3] =	wrdreg s16  }
0xb6: {  	[dreg:$0x4] =	wrdreg s24  }
0xb7: {  	[dreg:$0x5] =	wrdreg $0x9  }
0xb8: {  	_ =	task.clear_ibuf [dreg:s8], $0x6FFFF;
	_ =	strace $0x90000046  }
0xb9: {  	s29 =	simm.s32 $0x9;
	_ =	strace $0x80000048  }
0xba: {  	_ =	swait.ge [sflag:s29], $0x1  }
0xbb: {  	[sflag:s29] =	ssyncadd.s32 $0xFFFFFFFF  }
0xbc: {  	_ =	strace $0x90000048  }
0xbd: {  	_ =	sfence  }
0xbe: {  	s30 =	sld [smem:$0x0];
	_ =	sdelay $0x2  }
0xbf: {  	s31 =	sshll.u32 s1, $0xD;
	s1 =	sshrl.u32 s1, $0x2  }
0xc0: {  	s3 =	sand.u32 $0x4000, s31;
	s1 =	sadd.s32 s1, s30  }
0xc1: {  	s0 =	sor.u32 s3, s0;
	s1 =	sshll.u32 s1, $0x11  }
0xc2: {  	s0 =	sor.u32 s1, s0  }
0xc3: {  	s0 =	sadd.s32 $0x8F2B, s0  }
0xc4: {  	[sflag:s0] =	ssyncadd.remote.s32 $0x1  }
0xc5: {  	_ =	sfence.sel $0xFFFF  }
0xc6: {  	[dreg:$0x0] =	wrdreg $0xFFFFFFFF;
	(pc) =	sbr.abs _section_cstart, $3  }
0xc7: {  	[dreg:$0x1] =	wrdreg $0xFFFFFFFF  }
0xc8: {  	_ =	task.clear_ibuf [dreg:s8], $0x2FFFF;
	_ =	strace $0x9FFFFFFF  }
0xc9: {  	(tm) =	ssettm $0x7FFFFFFF  }
tec
execute0_lowered:
.L_overlay_start_1:
0x0: {  	(tag) =	ssettag $0x1  }
0x1: {  	s1 =	rddreg [dreg:$0x0];
	s2 =	srdreg.scid  }
0x2: {  	s4 =	rddreg [dreg:$0x1];
	s0 =	stileid.u32;
	s7 =	sand.u32 $0x1, s2  }
0x3: {  	s9 =	rddreg [dreg:$0x2];
	s5 =	sshll.u32 s0, $0x5;
	s6 =	sshll.u32 s7, $0x4  }
0x4: {  	s3 =	simm.s32 $0x0;
	s2 =	rddreg [dreg:$0x3];
	s10 =	sor.u32 s6, s5  }
0x5: {  	[smem:$0x7FF] =	sst s3;
	s5 =	sshrl.u32 s10, $0x3  }
0x6: {  	_ =	strace $0x80000047;
	s5 =	sadd.s32 s4, s5;
	s4 =	simm.s32 $0x2  }
0x7: {  	[tilespmem:s3], [sflag:$0x2] =	stream.linear.gather [hbm4b:s5+s3], $0x10, $0x38;
	[tilespmem:$0x1080] =	vst v63  }
0x8: {  	_ =	swait.ge [sflag:s4], $0x10  }
0x9: {  	[sflag:s4] =	ssyncset.done $0x0  }
0xa: {  	[sflag:s4] =	ssyncadd.s32 $0xFFFFFFF0  }
0xb: {  	v0 =	vld [tilespmem:$0x0];
	_ =	sdelay $0x4  }
0xc: {  	v1 =	vshll.u32 v0, $0x1  }
0xd: {  	v2 =	vlaneseq.u32;
	v3 =	vand.u32 $0x7, v0;
	v1 =	vand.u32 $0xFFFFFFF0, v1  }
0xe: {  	v4 =	vshrl.u32 v2, $0x3;
	v0 =	vand.u32 $0x7, v2;
	v3 =	vor.u32 v3, v1  }
0xf: {  	v1 =	vmul.u32 $0x8, v4;
	v63 =	vperm.xlane v3, v0  }
0x10: {  	v2 =	vor.u32 $0x8, v2  }
0x11: {  	v3 =	vperm.xlane v3, v2;
	v4 =	vadd.s32 v1, v63;
	_ =	sdelay $0x1  }
0x12: {  	s11 =	ssub.s32 $0x2, s7;
	v3 =	vadd.s32 v1, v3  }
0x13: {  	s8 =	simm.s32 $0x1;
	s12 =	sshrl.u32 s11, $0x1  }
0x14: {  	vm0 =	vmmov $0xffff;
	s6 =	simm.s32 $0x80;
	s10 =	sshll.u32 s10, $0x5;
	s31 =	ssub.s32 s11, s12  }
0x15: {  	[tilespmem:s6], [sflag:$0x1] =	stream.indirect_vreg.gather [hbm4b:s1+s3], $0x80, v4, vm0, $0xb8;
	[tilespmem:$0x1080] =	vst v63  }
0x16: {  	s7 =	simm.s32 $0x880;
	s9 =	sadd.s32 s10, s9;
	s10 =	smax.u32 s31, $0x1  }
0x17: {  	[tilespmem:s7], [sflag:$0x1] =	stream.indirect_vreg.gather [hbm4b:s1+s3], $0x80, v3, vm0, $0xb8;
	[tilespmem:$0x1080] =	vst v63  }
0x18: {  	p0 =	sne.s32 s10, $0x1;
	_ =	swait.ge [sflag:s8], $0x1000  }
.Ltmp0:
0x19: {  	[sflag:s8] =	ssyncset.done $0x0;
	(pc) =	sbr.rel @!p0 .LBB2_2-.Ltmp0, $4  }
0x1a: {  	s9 =	sadd.s32 $0x2A00, s9;
	[sflag:s8] =	ssyncadd.s32 $0xFFFFF000  }
0x1b: {  	[hbm4b:s9+s3] =	stream.linear.scatter [tilespmem:s6], [sflag:$0x2], $0x1000, $0x38;
	[tilespmem:$0x1080] =	vst v63  }
0x1c: {  	_ =	swait.ge [sflag:s4], $0x1000  }
0x1d: {  	s10 =	sadd.s32 $0xFFFFFFFF, s10;
	[sflag:s4] =	ssyncset.done $0x0  }
.LBB2_1:
0x1e: {  	p0 =	sne.s32 s10, $0x1;
	s10 =	sadd.s32 $0xFFFFFFFF, s10;
	[sflag:s4] =	ssyncadd.s32 $0xFFFFF000  }
0x1f: {  	[tilespmem:s3], [sflag:$0x2] =	stream.linear.gather [hbm4b:s5+s3], $0x10, $0x38;
	[tilespmem:$0x1080] =	vst v63  }
0x20: {  	_ =	swait.ge [sflag:s4], $0x10  }
0x21: {  	[sflag:s4] =	ssyncset.done $0x0  }
0x22: {  	[sflag:s4] =	ssyncadd.s32 $0xFFFFFFF0  }
0x23: {  	v3 =	vld [tilespmem:$0x0];
	_ =	sdelay $0x4  }
0x24: {  	v4 =	vshll.u32 v3, $0x1  }
0x25: {  	v3 =	vand.u32 $0x7, v3;
	v4 =	vand.u32 $0xFFFFFFF0, v4  }
0x26: {  	v3 =	vor.u32 v3, v4  }
0x27: {  	v4 =	vperm.xlane v3, v0;
	v3 =	vperm.xlane v3, v2;
	_ =	sdelay $0x1  }
0x28: {  	v4 =	vadd.s32 v1, v4;
	_ =	sdelay $0x1  }
0x29: {  	v3 =	vadd.s32 v1, v3;
	_ =	sdelay $0x2  }
0x2a: {  	[tilespmem:s6], [sflag:$0x1] =	stream.indirect_vreg.gather [hbm4b:s1+s3], $0x80, v4, vm0, $0xb8;
	[tilespmem:$0x1080] =	vst v63  }
0x2b: {  	_ = 	snop  }
0x2c: {  	[tilespmem:s7], [sflag:$0x1] =	stream.indirect_vreg.gather [hbm4b:s1+s3], $0x80, v3, vm0, $0xb8;
	[tilespmem:$0x1080] =	vst v63  }
0x2d: {  	_ =	swait.ge [sflag:s8], $0x1000  }
.Ltmp1:
0x2e: {  	[sflag:s8] =	ssyncset.done $0x0;
	(pc) =	sbr.rel @p0 .LBB2_1-.Ltmp1, $4  }
0x2f: {  	[sflag:s8] =	ssyncadd.s32 $0xFFFFF000  }
0x30: {  	[hbm4b:s9+s3] =	stream.linear.scatter [tilespmem:s6], [sflag:$0x2], $0x1000, $0x38;
	[tilespmem:$0x1080] =	vst v63  }
0x31: {  	_ =	swait.ge [sflag:s4], $0x1000  }
0x32: {  	[sflag:s4] =	ssyncset.done $0x0  }
.LBB2_2:
0x33: {  	[sflag:s4] =	ssyncadd.s32 $0xFFFFF000  }
0x34: {  	_ =	sfence.sel $0x180000  }
0x35: {  	[bflag:$0x0] =	sbarrier.arrive $0xFFFF  }
0x36: {  	p0 =	sne.s32 s0, $0x0;
	_ =	strace $0x90000047  }
0x37: {  	s0 =	sadd.s32 @!p0 $0x100000, s2;
	[bflag:$0x2] =	sbarrier.arrive $0xFFFF  }
0x38: {  	[sflag:s0] =	ssyncadd.tile.s32 @!p0 $0x1;
	_ =	shalt  }
.Lfunc_end2:
_tile_overlayer_lowered:
.L_overlay_start_2:
0x39: {  	(tag) =	ssettag $0x2  }
0x3a: {  	s0 =	rddreg [dreg:$0x0];
	s2 =	stileid.u32  }
0x3b: {  	s1 =	rddreg [dreg:$0x1];
	p0 =	sne.s32 s2, $0x0  }
0x3c: {  	s3 =	rddreg [dreg:$0x2];
	[bflag:$0x3] =	sbarrier.arrive $0xFFFF;
	s2 =	simm.s32 @!p0 $0x1C02  }
0x3d: {  	[timem:s3], [sflag:s2] =	dma.local @!p0 [hbm:s0], s1  }
0x3e: {  	s0 =	simm.s32 @!p0 $0x2  }
0x3f: {  	_ =	swait.ge @!p0 [sflag:s0], s1  }
0x40: {  	s1 =	ssub.s32 @!p0 $0x0, s1;
	[sflag:s0] =	ssyncset.done @!p0 $0x0  }
0x41: {  	[sflag:s0] =	ssyncadd.s32 @!p0 s1  }
0x42: {  	[bflag:$0x3] =	sbarrier.arrive $0xFFFF  }
0x43: {  	_ =	shalt  }

</sc_bundles>
